<compile_context>
chip_gen: v7x
topology: tpu7x:2x2x1
jax: 0.10.2.dev20260603
libtpu: 0.0.44.dev20260713+nightly
codegen_flags: <defaults>
</compile_context>

<pallas_src>
import functools

import jax
import jax.numpy as jnp
from jax import lax
from jax.experimental import pallas as pl
from jax.experimental.pallas import tpu as pltpu
from jax.experimental.pallas import tpu_sc as plsc

N_NODES_PAD = 100352
CHUNK = 128
LANES = 16


def _fem_body(xs_hbm, ys_hbm, us_hbm, cmap_hbm, zeros_hbm, dummy_hbm, out_hbm,
              *, n_cells, cpt, n_chunks, idx_v, gbuf,
              vbuf, out_buf, acc_sh, xs_sh, ys_sh, us_sh, sem, ssem):
    nc = 2
    ns = 16
    cid = lax.axis_index("c")
    sid = lax.axis_index("s")
    wid = sid * nc + cid

    pltpu.sync_copy(cmap_hbm.at[0, wid], idx_v.at[0])
    pltpu.sync_copy(cmap_hbm.at[1, wid], idx_v.at[1])
    pltpu.sync_copy(cmap_hbm.at[2, wid], idx_v.at[2])

    slice_n = N_NODES_PAD // ns
    tsl = pl.ds(sid * slice_n, slice_n)
    pltpu.sync_copy(xs_hbm.at[tsl], xs_sh.at[tsl])
    pltpu.sync_copy(ys_hbm.at[tsl], ys_sh.at[tsl])
    pltpu.sync_copy(us_hbm.at[tsl], us_sh.at[tsl])
    pltpu.sync_copy(zeros_hbm, acc_sh.at[tsl])
    plsc.subcore_barrier()

    lane_iota = lax.iota(jnp.int32, LANES)
    nanc = jnp.full((LANES,), jnp.nan, jnp.float32)
    zeroc = jnp.zeros((LANES,), jnp.float32)
    halfc = jnp.full((LANES,), 0.5, jnp.float32)
    tile_base = wid * cpt
    tabs = (xs_sh, ys_sh, us_sh)

    def issue(ch, parity):
        for v in range(3):
            ids = idx_v.at[v, ch]
            for tb in range(3):
                pltpu.async_copy(tabs[tb].at[ids], gbuf.at[parity, v, tb], sem)

    def drain_gathers(parity):
        pltpu.make_async_copy(dummy_hbm, gbuf.at[parity], sem).wait()

    def drain_scatters(parity):
        pltpu.make_async_copy(dummy_hbm.at[0], vbuf.at[parity], ssem).wait()

    issue(0, 0)

    def chunk_body(ch, carry):
        p = lax.rem(ch, 2)
        drain_gathers(p)
        issue(ch + 1, 1 - p)

        @pl.when(ch >= 2)
        def _():
            drain_scatters(p)

        for s in range(CHUNK // LANES):
            sl = pl.ds(s * LANES, LANES)
            xi = gbuf[p, 0, 0, sl]
            yi = gbuf[p, 0, 1, sl]
            ui = gbuf[p, 0, 2, sl]
            xj = gbuf[p, 1, 0, sl]
            yj = gbuf[p, 1, 1, sl]
            uj = gbuf[p, 1, 2, sl]
            xk = gbuf[p, 2, 0, sl]
            yk = gbuf[p, 2, 1, sl]
            uk = gbuf[p, 2, 2, sl]

            bi = yj - yk
            bj = yk - yi
            bk = yi - yj
            ci = xk - xj
            cj = xi - xk
            ck = xj - xi
            det = ck * bj - cj * bk
            inv = halfc / jnp.abs(det)
            inv = jnp.where(det == zeroc, nanc, inv)
            g1 = (bi * ui + bj * uj + bk * uk) * inv
            g2 = (ci * ui + cj * uj + ck * uk) * inv
            vi = -(bi * g1 + ci * g2)
            vj = -(bj * g1 + cj * g2)
            vk = -(bk * g1 + ck * g2)
            r = lane_iota + s * LANES
            valid = (tile_base + ch * CHUNK + r) < n_cells
            vi = jnp.where(valid, vi, zeroc)
            vj = jnp.where(valid, vj, zeroc)
            vk = jnp.where(valid, vk, zeroc)
            vbuf[p, 0, sl] = vi
            vbuf[p, 1, sl] = vj
            vbuf[p, 2, sl] = vk

        pltpu.async_copy(vbuf.at[p, 0], acc_sh.at[idx_v.at[0, ch]], ssem, add=True)
        pltpu.async_copy(vbuf.at[p, 1], acc_sh.at[idx_v.at[1, ch]], ssem, add=True)
        pltpu.async_copy(vbuf.at[p, 2], acc_sh.at[idx_v.at[2, ch]], ssem, add=True)
        return carry

    lax.fori_loop(0, n_chunks, chunk_body, 0, unroll=False)
    drain_gathers(n_chunks % 2)
    drain_scatters((n_chunks - 2) % 2)
    drain_scatters((n_chunks - 1) % 2)

    plsc.subcore_barrier()
    pltpu.sync_copy(acc_sh.at[pl.ds(sid * slice_n, slice_n)], out_buf)
    pltpu.sync_copy(out_buf, out_hbm.at[cid, pl.ds(sid * slice_n, slice_n)])


def _build_sc_call(n_cells, cpt, n_chunks):
    mesh = plsc.VectorSubcoreMesh(core_axis_name="c", subcore_axis_name="s")
    slice_n = N_NODES_PAD // 16
    body = functools.partial(_fem_body, n_cells=n_cells, cpt=cpt,
                             n_chunks=n_chunks)
    return pl.kernel(
        body,
        out_type=jax.ShapeDtypeStruct((2, N_NODES_PAD), jnp.float32),
        mesh=mesh,
        scratch_types=dict(
            idx_v=pltpu.VMEM((3, n_chunks + 1, CHUNK), jnp.int32),
            gbuf=pltpu.VMEM((2, 3, 3, CHUNK), jnp.float32),
            vbuf=pltpu.VMEM((2, 3, CHUNK), jnp.float32),
            out_buf=pltpu.VMEM((slice_n,), jnp.float32),
            acc_sh=pltpu.VMEM_SHARED((N_NODES_PAD,), jnp.float32),
            xs_sh=pltpu.VMEM_SHARED((N_NODES_PAD,), jnp.float32),
            ys_sh=pltpu.VMEM_SHARED((N_NODES_PAD,), jnp.float32),
            us_sh=pltpu.VMEM_SHARED((N_NODES_PAD,), jnp.float32),
            sem=pltpu.SemaphoreType.DMA,
            ssem=pltpu.SemaphoreType.DMA,
        ),
    )


def kernel(mesh_points, u, cell_node_map):
    n = mesh_points.shape[0]
    t = cell_node_map.shape[0]
    n_tiles = 32
    cpt = -(-t // (n_tiles * CHUNK)) * CHUNK
    n_chunks = cpt // CHUNK
    slice_n = N_NODES_PAD // 16

    mp = mesh_points.astype(jnp.float32)
    npad = N_NODES_PAD - n
    xs = jnp.pad(mp[:, 0], (0, npad))
    ys = jnp.pad(mp[:, 1], (0, npad))
    us = jnp.pad(u.astype(jnp.float32), (0, npad))

    idx = cell_node_map.astype(jnp.int32).T
    pad = n_tiles * cpt - t
    idx = jnp.pad(idx, ((0, 0), (0, pad)))
    idx = idx.reshape(3, n_tiles, n_chunks, CHUNK)
    idx = jnp.concatenate(
        [idx, jnp.zeros((3, n_tiles, 1, CHUNK), jnp.int32)], axis=2)
    zeros = jnp.zeros((slice_n,), jnp.float32)
    dummy = jnp.zeros((3, 3, CHUNK), jnp.float32)

    call = _build_sc_call(t, cpt, n_chunks)
    partials = call(xs, ys, us, idx, zeros, dummy)
    out = partials[0] + partials[1]
    return out[:n]

# --- scband reference (transcript-rebuilt; emitter-appended) ---
"""Pipeline reference for scband-back-fem-2-d-35871566856970 (READ-ONLY COPY).

The authoritative reference and input builder live on the scoring server;
editing this copy changes nothing except your own understanding.
"""

import jax, jax.numpy as jnp
import numpy as np

N_NODES = 100000
N_CELLS = 200000

def setup_inputs(seed: int = 0) -> dict:
    key = jax.random.key(seed)
    k1, k2, k3 = jax.random.split(key, 3)
    mesh_points = jax.random.uniform(k1, (N_NODES, 2), dtype=jnp.float32)
    u = jax.random.normal(k2, (N_NODES,), dtype=jnp.float32)
    cell_node_map = jax.random.randint(k3, (N_CELLS, 3), 0, N_NODES, dtype=jnp.int64)
    return {"mesh_points": mesh_points, "u": u, "cell_node_map": cell_node_map}

def reference(mesh_points, u, cell_node_map):
    # FEM stiffness assembly (build_mass_matrix) + assembly-free SpMV  M @ u
    N = mesh_points.shape[0]
    T = cell_node_map.shape[0]
    # gather triangle vertex coords: (T, 3, 2)
    tri = mesh_points[cell_node_map]
    ones = jnp.ones((T, 3, 1), dtype=mesh_points.dtype)
    A = jnp.concatenate((ones, tri), axis=2)          # (T, 3, 3)
    B = jnp.broadcast_to(jnp.eye(3, dtype=mesh_points.dtype), (T, 3, 3))
    slopes = jnp.linalg.solve(A, B)                   # (T, 3, 3)
    x = tri[:, :, 0]
    y = tri[:, :, 1]
    area = 0.5 * jnp.abs(
        x[:, 0] * (y[:, 1] - y[:, 2])
        + x[:, 1] * (y[:, 2] - y[:, 0])
        + x[:, 2] * (y[:, 0] - y[:, 1])
    )
    s_i = slopes[:, 1:, 0]
    s_j = slopes[:, 1:, 1]
    s_k = slopes[:, 1:, 2]
    ar = area[:, None]
    Mii = (s_i * s_i * ar).sum(1)
    Mjj = (s_j * s_j * ar).sum(1)
    Mkk = (s_k * s_k * ar).sum(1)
    Mij = (s_i * s_j * ar).sum(1)
    Mjk = (s_j * s_k * ar).sum(1)
    Mki = (s_k * s_i * ar).sum(1)
    i_idx = cell_node_map[:, 0]
    j_idx = cell_node_map[:, 1]
    k_idx = cell_node_map[:, 2]
    row_idx = jnp.concatenate((i_idx, j_idx, k_idx, i_idx, j_idx, k_idx, j_idx, k_idx, i_idx))
    col_idx = jnp.concatenate((i_idx, j_idx, k_idx, j_idx, k_idx, i_idx, i_idx, j_idx, k_idx))
    values = -jnp.concatenate((Mii, Mjj, Mkk, Mij, Mjk, Mki, Mij, Mjk, Mki))
    # assembly-free sparse mat-vec:  y = M @ u  via gather + scatter-add
    out = jnp.zeros((N,), dtype=mesh_points.dtype).at[row_idx].add(values * u[col_idx])
    return out

if __name__ == "__main__":
    import jax
    _d = setup_inputs()
    print(jax.jit(kernel)(*tuple(_d.values())))

</pallas_src>

<mosaic_0001>
#map = affine_map<(d0, d1) -> (0)>
#map1 = affine_map<(d0, d1) -> (0, 0, 0, 0)>
#map2 = affine_map<(d0, d1) -> (0, 0, 0)>
#map3 = affine_map<(d0, d1) -> (0, 0)>
module attributes {stable_mosaic.version = 14 : i64} {
  func.func @_fem_body(%arg0: i32, %arg1: i32, %arg2: memref<100352xf32, #tpu.memory_space<hbm>>, %arg3: memref<100352xf32, #tpu.memory_space<hbm>>, %arg4: memref<100352xf32, #tpu.memory_space<hbm>>, %arg5: memref<3x32x50x128xi32, #tpu.memory_space<hbm>>, %arg6: memref<6272xf32, #tpu.memory_space<hbm>>, %arg7: memref<3x3x128xf32, #tpu.memory_space<hbm>>, %arg8: memref<2x100352xf32, #tpu.memory_space<hbm>>, %arg9: memref<100352xf32, #tpu.memory_space<vmem_shared>>, %arg10: memref<2x3x3x128xf32, #tpu.memory_space<vmem>>, %arg11: memref<3x50x128xi32, #tpu.memory_space<vmem>>, %arg12: memref<6272xf32, #tpu.memory_space<vmem>>, %arg13: memref<!tpu.dma_semaphore, #tpu.memory_space<semaphore_mem>>, %arg14: memref<!tpu.dma_semaphore, #tpu.memory_space<semaphore_mem>>, %arg15: memref<100352xf32, #tpu.memory_space<vmem_shared>>, %arg16: memref<2x3x128xf32, #tpu.memory_space<vmem>>, %arg17: memref<100352xf32, #tpu.memory_space<vmem_shared>>, %arg18: memref<100352xf32, #tpu.memory_space<vmem_shared>>) attributes {dimension_semantics = [#tpu.dimension_semantics<core_parallel>, #tpu.dimension_semantics<subcore_parallel>], iteration_bounds = array<i64: 2, 16>, scalar_prefetch = 0 : i64, scratch_operands = 10 : i64, tpu.core_type = #tpu.core_type<sc_vector_subcore>, window_params = [{transform_indices = #map}, {transform_indices = #map}, {transform_indices = #map}, {transform_indices = #map1}, {transform_indices = #map}, {transform_indices = #map2}, {transform_indices = #map3}]} {
    %mul3A = arith.constant 2 : i32
    %mul3A_0 = arith.muli %arg1, %mul3A : i32
    %add3A = arith.addi %mul3A_0, %arg0 : i32
    %run_scoped3A = arith.constant 0 : i32
    %run_scoped3A_1 = arith.constant 0 : i32
    "tpu.region"() ({
      %run_scoped3A_187 = tpu.sem_alloc : memref<!tpu.dma_semaphore, #tpu.memory_space<semaphore_mem>>
      %dma_start3A_188 = arith.constant 0 : i32
      %dma_start3A_189 = arith.constant 0 : i32
      %dma_start3A_190 = tpu.memref_slice %arg11[%run_scoped3A_1, %dma_start3A_188, %dma_start3A_189] : memref<3x50x128xi32, #tpu.memory_space<vmem>> -> memref<1x50x128xi32, #tpu.memory_space<vmem>>
      %dma_start3A_191 = tpu.memref_squeeze %dma_start3A_190 : memref<1x50x128xi32, #tpu.memory_space<vmem>> -> memref<50x128xi32, #tpu.memory_space<vmem>>
      %dma_start3A_192 = arith.constant 0 : i32
      %dma_start3A_193 = arith.constant 0 : i32
      %dma_start3A_194 = tpu.memref_slice %arg5[%run_scoped3A, %add3A, %dma_start3A_192, %dma_start3A_193] : memref<3x32x50x128xi32, #tpu.memory_space<hbm>> -> memref<1x1x50x128xi32, #tpu.memory_space<hbm>>
      %dma_start3A_195 = tpu.memref_squeeze %dma_start3A_194 : memref<1x1x50x128xi32, #tpu.memory_space<hbm>> -> memref<50x128xi32, #tpu.memory_space<hbm>>
      %dma_start3A_196 = arith.constant 0 : i32
      %dma_start3A_197 = arith.constant 0 : i32
      %dma_start3A_198 = tpu.memref_slice %arg11[%run_scoped3A_1, %dma_start3A_196, %dma_start3A_197] : memref<3x50x128xi32, #tpu.memory_space<vmem>> -> memref<1x50x128xi32, #tpu.memory_space<vmem>>
      %dma_start3A_199 = tpu.memref_squeeze %dma_start3A_198 : memref<1x50x128xi32, #tpu.memory_space<vmem>> -> memref<50x128xi32, #tpu.memory_space<vmem>>
      %dma_start3A_200 = arith.constant 0 : i32
      %dma_start3A_201 = arith.constant 0 : i32
      %dma_start3A_202 = tpu.memref_slice %arg5[%run_scoped3A, %add3A, %dma_start3A_200, %dma_start3A_201] : memref<3x32x50x128xi32, #tpu.memory_space<hbm>> -> memref<1x1x50x128xi32, #tpu.memory_space<hbm>>
      %dma_start3A_203 = tpu.memref_squeeze %dma_start3A_202 : memref<1x1x50x128xi32, #tpu.memory_space<hbm>> -> memref<50x128xi32, #tpu.memory_space<hbm>>
      tpu.enqueue_dma source(%dma_start3A_203 : memref<50x128xi32, #tpu.memory_space<hbm>>) target(%dma_start3A_199 : memref<50x128xi32, #tpu.memory_space<vmem>>) target_semaphore(%run_scoped3A_187 : memref<!tpu.dma_semaphore, #tpu.memory_space<semaphore_mem>>)
      %dma_wait3A_204 = arith.constant 0 : i32
      %dma_wait3A_205 = arith.constant 0 : i32
      %dma_wait3A_206 = tpu.memref_slice %arg11[%run_scoped3A_1, %dma_wait3A_204, %dma_wait3A_205] : memref<3x50x128xi32, #tpu.memory_space<vmem>> -> memref<1x50x128xi32, #tpu.memory_space<vmem>>
      %dma_wait3A_207 = tpu.memref_squeeze %dma_wait3A_206 : memref<1x50x128xi32, #tpu.memory_space<vmem>> -> memref<50x128xi32, #tpu.memory_space<vmem>>
      %dma_wait3A_208 = arith.constant 0 : i32
      %dma_wait3A_209 = arith.constant 0 : i32
      %dma_wait3A_210 = tpu.memref_slice %arg5[%run_scoped3A, %add3A, %dma_wait3A_208, %dma_wait3A_209] : memref<3x32x50x128xi32, #tpu.memory_space<hbm>> -> memref<1x1x50x128xi32, #tpu.memory_space<hbm>>
      %dma_wait3A_211 = tpu.memref_squeeze %dma_wait3A_210 : memref<1x1x50x128xi32, #tpu.memory_space<hbm>> -> memref<50x128xi32, #tpu.memory_space<hbm>>
      %dma_wait3A_212 = arith.constant 0 : i32
      %dma_wait3A_213 = arith.constant 0 : i32
      %dma_wait3A_214 = tpu.memref_slice %arg11[%run_scoped3A_1, %dma_wait3A_212, %dma_wait3A_213] : memref<3x50x128xi32, #tpu.memory_space<vmem>> -> memref<1x50x128xi32, #tpu.memory_space<vmem>>
      %dma_wait3A_215 = tpu.memref_squeeze %dma_wait3A_214 : memref<1x50x128xi32, #tpu.memory_space<vmem>> -> memref<50x128xi32, #tpu.memory_space<vmem>>
      %dma_wait3A_216 = arith.constant 0 : i32
      %dma_wait3A_217 = arith.constant 0 : i32
      %dma_wait3A_218 = tpu.memref_slice %arg5[%run_scoped3A, %add3A, %dma_wait3A_216, %dma_wait3A_217] : memref<3x32x50x128xi32, #tpu.memory_space<hbm>> -> memref<1x1x50x128xi32, #tpu.memory_space<hbm>>
      %dma_wait3A_219 = tpu.memref_squeeze %dma_wait3A_218 : memref<1x1x50x128xi32, #tpu.memory_space<hbm>> -> memref<50x128xi32, #tpu.memory_space<hbm>>
      tpu.wait_dma2 semaphore(%run_scoped3A_187 : memref<!tpu.dma_semaphore, #tpu.memory_space<semaphore_mem>>) src(%dma_wait3A_219 : memref<50x128xi32, #tpu.memory_space<hbm>>) dst(%dma_wait3A_215 : memref<50x128xi32, #tpu.memory_space<vmem>>)
      tpu.yield
    }) : () -> ()
    %run_scoped3A_2 = arith.constant 1 : i32
    %run_scoped3A_3 = arith.constant 1 : i32
    "tpu.region"() ({
      %run_scoped3A_187 = tpu.sem_alloc : memref<!tpu.dma_semaphore, #tpu.memory_space<semaphore_mem>>
      %dma_start3A_188 = arith.constant 0 : i32
      %dma_start3A_189 = arith.constant 0 : i32
      %dma_start3A_190 = tpu.memref_slice %arg11[%run_scoped3A_3, %dma_start3A_188, %dma_start3A_189] : memref<3x50x128xi32, #tpu.memory_space<vmem>> -> memref<1x50x128xi32, #tpu.memory_space<vmem>>
      %dma_start3A_191 = tpu.memref_squeeze %dma_start3A_190 : memref<1x50x128xi32, #tpu.memory_space<vmem>> -> memref<50x128xi32, #tpu.memory_space<vmem>>
      %dma_start3A_192 = arith.constant 0 : i32
      %dma_start3A_193 = arith.constant 0 : i32
      %dma_start3A_194 = tpu.memref_slice %arg5[%run_scoped3A_2, %add3A, %dma_start3A_192, %dma_start3A_193] : memref<3x32x50x128xi32, #tpu.memory_space<hbm>> -> memref<1x1x50x128xi32, #tpu.memory_space<hbm>>
      %dma_start3A_195 = tpu.memref_squeeze %dma_start3A_194 : memref<1x1x50x128xi32, #tpu.memory_space<hbm>> -> memref<50x128xi32, #tpu.memory_space<hbm>>
      %dma_start3A_196 = arith.constant 0 : i32
      %dma_start3A_197 = arith.constant 0 : i32
      %dma_start3A_198 = tpu.memref_slice %arg11[%run_scoped3A_3, %dma_start3A_196, %dma_start3A_197] : memref<3x50x128xi32, #tpu.memory_space<vmem>> -> memref<1x50x128xi32, #tpu.memory_space<vmem>>
      %dma_start3A_199 = tpu.memref_squeeze %dma_start3A_198 : memref<1x50x128xi32, #tpu.memory_space<vmem>> -> memref<50x128xi32, #tpu.memory_space<vmem>>
      %dma_start3A_200 = arith.constant 0 : i32
      %dma_start3A_201 = arith.constant 0 : i32
      %dma_start3A_202 = tpu.memref_slice %arg5[%run_scoped3A_2, %add3A, %dma_start3A_200, %dma_start3A_201] : memref<3x32x50x128xi32, #tpu.memory_space<hbm>> -> memref<1x1x50x128xi32, #tpu.memory_space<hbm>>
      %dma_start3A_203 = tpu.memref_squeeze %dma_start3A_202 : memref<1x1x50x128xi32, #tpu.memory_space<hbm>> -> memref<50x128xi32, #tpu.memory_space<hbm>>
      tpu.enqueue_dma source(%dma_start3A_203 : memref<50x128xi32, #tpu.memory_space<hbm>>) target(%dma_start3A_199 : memref<50x128xi32, #tpu.memory_space<vmem>>) target_semaphore(%run_scoped3A_187 : memref<!tpu.dma_semaphore, #tpu.memory_space<semaphore_mem>>)
      %dma_wait3A_204 = arith.constant 0 : i32
      %dma_wait3A_205 = arith.constant 0 : i32
      %dma_wait3A_206 = tpu.memref_slice %arg11[%run_scoped3A_3, %dma_wait3A_204, %dma_wait3A_205] : memref<3x50x128xi32, #tpu.memory_space<vmem>> -> memref<1x50x128xi32, #tpu.memory_space<vmem>>
      %dma_wait3A_207 = tpu.memref_squeeze %dma_wait3A_206 : memref<1x50x128xi32, #tpu.memory_space<vmem>> -> memref<50x128xi32, #tpu.memory_space<vmem>>
      %dma_wait3A_208 = arith.constant 0 : i32
      %dma_wait3A_209 = arith.constant 0 : i32
      %dma_wait3A_210 = tpu.memref_slice %arg5[%run_scoped3A_2, %add3A, %dma_wait3A_208, %dma_wait3A_209] : memref<3x32x50x128xi32, #tpu.memory_space<hbm>> -> memref<1x1x50x128xi32, #tpu.memory_space<hbm>>
      %dma_wait3A_211 = tpu.memref_squeeze %dma_wait3A_210 : memref<1x1x50x128xi32, #tpu.memory_space<hbm>> -> memref<50x128xi32, #tpu.memory_space<hbm>>
      %dma_wait3A_212 = arith.constant 0 : i32
      %dma_wait3A_213 = arith.constant 0 : i32
      %dma_wait3A_214 = tpu.memref_slice %arg11[%run_scoped3A_3, %dma_wait3A_212, %dma_wait3A_213] : memref<3x50x128xi32, #tpu.memory_space<vmem>> -> memref<1x50x128xi32, #tpu.memory_space<vmem>>
      %dma_wait3A_215 = tpu.memref_squeeze %dma_wait3A_214 : memref<1x50x128xi32, #tpu.memory_space<vmem>> -> memref<50x128xi32, #tpu.memory_space<vmem>>
      %dma_wait3A_216 = arith.constant 0 : i32
      %dma_wait3A_217 = arith.constant 0 : i32
      %dma_wait3A_218 = tpu.memref_slice %arg5[%run_scoped3A_2, %add3A, %dma_wait3A_216, %dma_wait3A_217] : memref<3x32x50x128xi32, #tpu.memory_space<hbm>> -> memref<1x1x50x128xi32, #tpu.memory_space<hbm>>
      %dma_wait3A_219 = tpu.memref_squeeze %dma_wait3A_218 : memref<1x1x50x128xi32, #tpu.memory_space<hbm>> -> memref<50x128xi32, #tpu.memory_space<hbm>>
      tpu.wait_dma2 semaphore(%run_scoped3A_187 : memref<!tpu.dma_semaphore, #tpu.memory_space<semaphore_mem>>) src(%dma_wait3A_219 : memref<50x128xi32, #tpu.memory_space<hbm>>) dst(%dma_wait3A_215 : memref<50x128xi32, #tpu.memory_space<vmem>>)
      tpu.yield
    }) : () -> ()
    %run_scoped3A_4 = arith.constant 2 : i32
    %run_scoped3A_5 = arith.constant 2 : i32
    "tpu.region"() ({
      %run_scoped3A_187 = tpu.sem_alloc : memref<!tpu.dma_semaphore, #tpu.memory_space<semaphore_mem>>
      %dma_start3A_188 = arith.constant 0 : i32
      %dma_start3A_189 = arith.constant 0 : i32
      %dma_start3A_190 = tpu.memref_slice %arg11[%run_scoped3A_5, %dma_start3A_188, %dma_start3A_189] : memref<3x50x128xi32, #tpu.memory_space<vmem>> -> memref<1x50x128xi32, #tpu.memory_space<vmem>>
      %dma_start3A_191 = tpu.memref_squeeze %dma_start3A_190 : memref<1x50x128xi32, #tpu.memory_space<vmem>> -> memref<50x128xi32, #tpu.memory_space<vmem>>
      %dma_start3A_192 = arith.constant 0 : i32
      %dma_start3A_193 = arith.constant 0 : i32
      %dma_start3A_194 = tpu.memref_slice %arg5[%run_scoped3A_4, %add3A, %dma_start3A_192, %dma_start3A_193] : memref<3x32x50x128xi32, #tpu.memory_space<hbm>> -> memref<1x1x50x128xi32, #tpu.memory_space<hbm>>
      %dma_start3A_195 = tpu.memref_squeeze %dma_start3A_194 : memref<1x1x50x128xi32, #tpu.memory_space<hbm>> -> memref<50x128xi32, #tpu.memory_space<hbm>>
      %dma_start3A_196 = arith.constant 0 : i32
      %dma_start3A_197 = arith.constant 0 : i32
      %dma_start3A_198 = tpu.memref_slice %arg11[%run_scoped3A_5, %dma_start3A_196, %dma_start3A_197] : memref<3x50x128xi32, #tpu.memory_space<vmem>> -> memref<1x50x128xi32, #tpu.memory_space<vmem>>
      %dma_start3A_199 = tpu.memref_squeeze %dma_start3A_198 : memref<1x50x128xi32, #tpu.memory_space<vmem>> -> memref<50x128xi32, #tpu.memory_space<vmem>>
      %dma_start3A_200 = arith.constant 0 : i32
      %dma_start3A_201 = arith.constant 0 : i32
      %dma_start3A_202 = tpu.memref_slice %arg5[%run_scoped3A_4, %add3A, %dma_start3A_200, %dma_start3A_201] : memref<3x32x50x128xi32, #tpu.memory_space<hbm>> -> memref<1x1x50x128xi32, #tpu.memory_space<hbm>>
      %dma_start3A_203 = tpu.memref_squeeze %dma_start3A_202 : memref<1x1x50x128xi32, #tpu.memory_space<hbm>> -> memref<50x128xi32, #tpu.memory_space<hbm>>
      tpu.enqueue_dma source(%dma_start3A_203 : memref<50x128xi32, #tpu.memory_space<hbm>>) target(%dma_start3A_199 : memref<50x128xi32, #tpu.memory_space<vmem>>) target_semaphore(%run_scoped3A_187 : memref<!tpu.dma_semaphore, #tpu.memory_space<semaphore_mem>>)
      %dma_wait3A_204 = arith.constant 0 : i32
      %dma_wait3A_205 = arith.constant 0 : i32
      %dma_wait3A_206 = tpu.memref_slice %arg11[%run_scoped3A_5, %dma_wait3A_204, %dma_wait3A_205] : memref<3x50x128xi32, #tpu.memory_space<vmem>> -> memref<1x50x128xi32, #tpu.memory_space<vmem>>
      %dma_wait3A_207 = tpu.memref_squeeze %dma_wait3A_206 : memref<1x50x128xi32, #tpu.memory_space<vmem>> -> memref<50x128xi32, #tpu.memory_space<vmem>>
      %dma_wait3A_208 = arith.constant 0 : i32
      %dma_wait3A_209 = arith.constant 0 : i32
      %dma_wait3A_210 = tpu.memref_slice %arg5[%run_scoped3A_4, %add3A, %dma_wait3A_208, %dma_wait3A_209] : memref<3x32x50x128xi32, #tpu.memory_space<hbm>> -> memref<1x1x50x128xi32, #tpu.memory_space<hbm>>
      %dma_wait3A_211 = tpu.memref_squeeze %dma_wait3A_210 : memref<1x1x50x128xi32, #tpu.memory_space<hbm>> -> memref<50x128xi32, #tpu.memory_space<hbm>>
      %dma_wait3A_212 = arith.constant 0 : i32
      %dma_wait3A_213 = arith.constant 0 : i32
      %dma_wait3A_214 = tpu.memref_slice %arg11[%run_scoped3A_5, %dma_wait3A_212, %dma_wait3A_213] : memref<3x50x128xi32, #tpu.memory_space<vmem>> -> memref<1x50x128xi32, #tpu.memory_space<vmem>>
      %dma_wait3A_215 = tpu.memref_squeeze %dma_wait3A_214 : memref<1x50x128xi32, #tpu.memory_space<vmem>> -> memref<50x128xi32, #tpu.memory_space<vmem>>
      %dma_wait3A_216 = arith.constant 0 : i32
      %dma_wait3A_217 = arith.constant 0 : i32
      %dma_wait3A_218 = tpu.memref_slice %arg5[%run_scoped3A_4, %add3A, %dma_wait3A_216, %dma_wait3A_217] : memref<3x32x50x128xi32, #tpu.memory_space<hbm>> -> memref<1x1x50x128xi32, #tpu.memory_space<hbm>>
      %dma_wait3A_219 = tpu.memref_squeeze %dma_wait3A_218 : memref<1x1x50x128xi32, #tpu.memory_space<hbm>> -> memref<50x128xi32, #tpu.memory_space<hbm>>
      tpu.wait_dma2 semaphore(%run_scoped3A_187 : memref<!tpu.dma_semaphore, #tpu.memory_space<semaphore_mem>>) src(%dma_wait3A_219 : memref<50x128xi32, #tpu.memory_space<hbm>>) dst(%dma_wait3A_215 : memref<50x128xi32, #tpu.memory_space<vmem>>)
      tpu.yield
    }) : () -> ()
    %mul3A_6 = arith.constant 6272 : i32
    %mul3A_7 = arith.muli %arg1, %mul3A_6 : i32
    "tpu.region"() ({
      %run_scoped3A_187 = tpu.sem_alloc : memref<!tpu.dma_semaphore, #tpu.memory_space<semaphore_mem>>
      %dma_start3A_188 = tpu.memref_slice %arg17[%mul3A_7] : memref<100352xf32, #tpu.memory_space<vmem_shared>> -> memref<6272xf32, #tpu.memory_space<vmem_shared>>
      %dma_start3A_189 = tpu.memref_slice %arg2[%mul3A_7] : memref<100352xf32, #tpu.memory_space<hbm>> -> memref<6272xf32, #tpu.memory_space<hbm>>
      tpu.enqueue_dma source(%dma_start3A_189 : memref<6272xf32, #tpu.memory_space<hbm>>) target(%dma_start3A_188 : memref<6272xf32, #tpu.memory_space<vmem_shared>>) target_semaphore(%run_scoped3A_187 : memref<!tpu.dma_semaphore, #tpu.memory_space<semaphore_mem>>)
      %dma_wait3A_190 = tpu.memref_slice %arg17[%mul3A_7] : memref<100352xf32, #tpu.memory_space<vmem_shared>> -> memref<6272xf32, #tpu.memory_space<vmem_shared>>
      %dma_wait3A_191 = tpu.memref_slice %arg2[%mul3A_7] : memref<100352xf32, #tpu.memory_space<hbm>> -> memref<6272xf32, #tpu.memory_space<hbm>>
      tpu.wait_dma2 semaphore(%run_scoped3A_187 : memref<!tpu.dma_semaphore, #tpu.memory_space<semaphore_mem>>) src(%dma_wait3A_191 : memref<6272xf32, #tpu.memory_space<hbm>>) dst(%dma_wait3A_190 : memref<6272xf32, #tpu.memory_space<vmem_shared>>)
      tpu.yield
    }) : () -> ()
    "tpu.region"() ({
      %run_scoped3A_187 = tpu.sem_alloc : memref<!tpu.dma_semaphore, #tpu.memory_space<semaphore_mem>>
      %dma_start3A_188 = tpu.memref_slice %arg18[%mul3A_7] : memref<100352xf32, #tpu.memory_space<vmem_shared>> -> memref<6272xf32, #tpu.memory_space<vmem_shared>>
      %dma_start3A_189 = tpu.memref_slice %arg3[%mul3A_7] : memref<100352xf32, #tpu.memory_space<hbm>> -> memref<6272xf32, #tpu.memory_space<hbm>>
      tpu.enqueue_dma source(%dma_start3A_189 : memref<6272xf32, #tpu.memory_space<hbm>>) target(%dma_start3A_188 : memref<6272xf32, #tpu.memory_space<vmem_shared>>) target_semaphore(%run_scoped3A_187 : memref<!tpu.dma_semaphore, #tpu.memory_space<semaphore_mem>>)
      %dma_wait3A_190 = tpu.memref_slice %arg18[%mul3A_7] : memref<100352xf32, #tpu.memory_space<vmem_shared>> -> memref<6272xf32, #tpu.memory_space<vmem_shared>>
      %dma_wait3A_191 = tpu.memref_slice %arg3[%mul3A_7] : memref<100352xf32, #tpu.memory_space<hbm>> -> memref<6272xf32, #tpu.memory_space<hbm>>
      tpu.wait_dma2 semaphore(%run_scoped3A_187 : memref<!tpu.dma_semaphore, #tpu.memory_space<semaphore_mem>>) src(%dma_wait3A_191 : memref<6272xf32, #tpu.memory_space<hbm>>) dst(%dma_wait3A_190 : memref<6272xf32, #tpu.memory_space<vmem_shared>>)
      tpu.yield
    }) : () -> ()
    "tpu.region"() ({
      %run_scoped3A_187 = tpu.sem_alloc : memref<!tpu.dma_semaphore, #tpu.memory_space<semaphore_mem>>
      %dma_start3A_188 = tpu.memref_slice %arg15[%mul3A_7] : memref<100352xf32, #tpu.memory_space<vmem_shared>> -> memref<6272xf32, #tpu.memory_space<vmem_shared>>
      %dma_start3A_189 = tpu.memref_slice %arg4[%mul3A_7] : memref<100352xf32, #tpu.memory_space<hbm>> -> memref<6272xf32, #tpu.memory_space<hbm>>
      tpu.enqueue_dma source(%dma_start3A_189 : memref<6272xf32, #tpu.memory_space<hbm>>) target(%dma_start3A_188 : memref<6272xf32, #tpu.memory_space<vmem_shared>>) target_semaphore(%run_scoped3A_187 : memref<!tpu.dma_semaphore, #tpu.memory_space<semaphore_mem>>)
      %dma_wait3A_190 = tpu.memref_slice %arg15[%mul3A_7] : memref<100352xf32, #tpu.memory_space<vmem_shared>> -> memref<6272xf32, #tpu.memory_space<vmem_shared>>
      %dma_wait3A_191 = tpu.memref_slice %arg4[%mul3A_7] : memref<100352xf32, #tpu.memory_space<hbm>> -> memref<6272xf32, #tpu.memory_space<hbm>>
      tpu.wait_dma2 semaphore(%run_scoped3A_187 : memref<!tpu.dma_semaphore, #tpu.memory_space<semaphore_mem>>) src(%dma_wait3A_191 : memref<6272xf32, #tpu.memory_space<hbm>>) dst(%dma_wait3A_190 : memref<6272xf32, #tpu.memory_space<vmem_shared>>)
      tpu.yield
    }) : () -> ()
    "tpu.region"() ({
      %run_scoped3A_187 = tpu.sem_alloc : memref<!tpu.dma_semaphore, #tpu.memory_space<semaphore_mem>>
      %dma_start3A_188 = tpu.memref_slice %arg9[%mul3A_7] : memref<100352xf32, #tpu.memory_space<vmem_shared>> -> memref<6272xf32, #tpu.memory_space<vmem_shared>>
      tpu.enqueue_dma source(%arg6 : memref<6272xf32, #tpu.memory_space<hbm>>) target(%dma_start3A_188 : memref<6272xf32, #tpu.memory_space<vmem_shared>>) target_semaphore(%run_scoped3A_187 : memref<!tpu.dma_semaphore, #tpu.memory_space<semaphore_mem>>)
      %dma_wait3A_189 = tpu.memref_slice %arg9[%mul3A_7] : memref<100352xf32, #tpu.memory_space<vmem_shared>> -> memref<6272xf32, #tpu.memory_space<vmem_shared>>
      tpu.wait_dma2 semaphore(%run_scoped3A_187 : memref<!tpu.dma_semaphore, #tpu.memory_space<semaphore_mem>>) src(%arg6 : memref<6272xf32, #tpu.memory_space<hbm>>) dst(%dma_wait3A_189 : memref<6272xf32, #tpu.memory_space<vmem_shared>>)
      tpu.yield
    }) : () -> ()
    %barrier3A = arith.constant 0 : index
    tpu.barrier barrier_id(%barrier3A)
    %iota3A = tpu.iota {dimensions = array<i32: 0>} : vector<16xi32>
    %broadcast_in_dim3A = arith.constant 0x7FC00000 : f32
    %broadcast_in_dim3A_8 = vector.broadcast %broadcast_in_dim3A : f32 to vector<16xf32>
    %broadcast_in_dim3A_9 = arith.constant 0.000000e+00 : f32
    %broadcast_in_dim3A_10 = vector.broadcast %broadcast_in_dim3A_9 : f32 to vector<16xf32>
    %broadcast_in_dim3A_11 = arith.constant 5.000000e-01 : f32
    %broadcast_in_dim3A_12 = vector.broadcast %broadcast_in_dim3A_11 : f32 to vector<16xf32>
    %mul3A_13 = arith.constant 6272 : i32
    %mul3A_14 = arith.muli %add3A, %mul3A_13 : i32
    %dma_start3A = arith.constant 0 : i32
    %dma_start3A_15 = arith.constant 0 : i32
    %dma_start3A_16 = arith.constant 0 : i32
    %dma_start3A_17 = arith.constant 0 : i32
    %dma_start3A_18 = arith.constant 0 : i32
    %dma_start3A_19 = arith.constant 0 : i32
    %dma_start3A_20 = tpu.memref_slice %arg10[%dma_start3A_16, %dma_start3A_17, %dma_start3A_18, %dma_start3A_19] : memref<2x3x3x128xf32, #tpu.memory_space<vmem>> -> memref<1x1x1x128xf32, #tpu.memory_space<vmem>>
    %dma_start3A_21 = tpu.memref_squeeze %dma_start3A_20 : memref<1x1x1x128xf32, #tpu.memory_space<vmem>> -> memref<128xf32, #tpu.memory_space<vmem>>
    %dma_start3A_22 = arith.constant 0 : i32
    %dma_start3A_23 = tpu.memref_slice %arg11[%dma_start3A, %dma_start3A_15, %dma_start3A_22] : memref<3x50x128xi32, #tpu.memory_space<vmem>> -> memref<1x1x128xi32, #tpu.memory_space<vmem>>
    %dma_start3A_24 = tpu.memref_squeeze %dma_start3A_23 : memref<1x1x128xi32, #tpu.memory_space<vmem>> -> memref<128xi32, #tpu.memory_space<vmem>>
    %dma_start3A_25 = arith.constant 0 : i32
    %dma_start3A_26 = tpu.memref_slice %arg17[%dma_start3A_25] : memref<100352xf32, #tpu.memory_space<vmem_shared>> -> memref<100352xf32, #tpu.memory_space<vmem_shared>>
    tpu.enqueue_indirect_dma source(%dma_start3A_26 : memref<100352xf32, #tpu.memory_space<vmem_shared>>) target(%dma_start3A_21 : memref<128xf32, #tpu.memory_space<vmem>>) offsets(%dma_start3A_24 : memref<128xi32, #tpu.memory_space<vmem>>) semaphore(%arg13 : memref<!tpu.dma_semaphore, #tpu.memory_space<semaphore_mem>>)
    %dma_start3A_27 = arith.constant 0 : i32
    %dma_start3A_28 = arith.constant 0 : i32
    %dma_start3A_29 = arith.constant 0 : i32
    %dma_start3A_30 = arith.constant 0 : i32
    %dma_start3A_31 = arith.constant 1 : i32
    %dma_start3A_32 = arith.constant 0 : i32
    %dma_start3A_33 = tpu.memref_slice %arg10[%dma_start3A_29, %dma_start3A_30, %dma_start3A_31, %dma_start3A_32] : memref<2x3x3x128xf32, #tpu.memory_space<vmem>> -> memref<1x1x1x128xf32, #tpu.memory_space<vmem>>
    %dma_start3A_34 = tpu.memref_squeeze %dma_start3A_33 : memref<1x1x1x128xf32, #tpu.memory_space<vmem>> -> memref<128xf32, #tpu.memory_space<vmem>>
    %dma_start3A_35 = arith.constant 0 : i32
    %dma_start3A_36 = tpu.memref_slice %arg11[%dma_start3A_27, %dma_start3A_28, %dma_start3A_35] : memref<3x50x128xi32, #tpu.memory_space<vmem>> -> memref<1x1x128xi32, #tpu.memory_space<vmem>>
    %dma_start3A_37 = tpu.memref_squeeze %dma_start3A_36 : memref<1x1x128xi32, #tpu.memory_space<vmem>> -> memref<128xi32, #tpu.memory_space<vmem>>
    %dma_start3A_38 = arith.constant 0 : i32
    %dma_start3A_39 = tpu.memref_slice %arg18[%dma_start3A_38] : memref<100352xf32, #tpu.memory_space<vmem_shared>> -> memref<100352xf32, #tpu.memory_space<vmem_shared>>
    tpu.enqueue_indirect_dma source(%dma_start3A_39 : memref<100352xf32, #tpu.memory_space<vmem_shared>>) target(%dma_start3A_34 : memref<128xf32, #tpu.memory_space<vmem>>) offsets(%dma_start3A_37 : memref<128xi32, #tpu.memory_space<vmem>>) semaphore(%arg13 : memref<!tpu.dma_semaphore, #tpu.memory_space<semaphore_mem>>)
    %dma_start3A_40 = arith.constant 0 : i32
    %dma_start3A_41 = arith.constant 0 : i32
    %dma_start3A_42 = arith.constant 0 : i32
    %dma_start3A_43 = arith.constant 0 : i32
    %dma_start3A_44 = arith.constant 2 : i32
    %dma_start3A_45 = arith.constant 0 : i32
    %dma_start3A_46 = tpu.memref_slice %arg10[%dma_start3A_42, %dma_start3A_43, %dma_start3A_44, %dma_start3A_45] : memref<2x3x3x128xf32, #tpu.memory_space<vmem>> -> memref<1x1x1x128xf32, #tpu.memory_space<vmem>>
    %dma_start3A_47 = tpu.memref_squeeze %dma_start3A_46 : memref<1x1x1x128xf32, #tpu.memory_space<vmem>> -> memref<128xf32, #tpu.memory_space<vmem>>
    %dma_start3A_48 = arith.constant 0 : i32
    %dma_start3A_49 = tpu.memref_slice %arg11[%dma_start3A_40, %dma_start3A_41, %dma_start3A_48] : memref<3x50x128xi32, #tpu.memory_space<vmem>> -> memref<1x1x128xi32, #tpu.memory_space<vmem>>
    %dma_start3A_50 = tpu.memref_squeeze %dma_start3A_49 : memref<1x1x128xi32, #tpu.memory_space<vmem>> -> memref<128xi32, #tpu.memory_space<vmem>>
    %dma_start3A_51 = arith.constant 0 : i32
    %dma_start3A_52 = tpu.memref_slice %arg15[%dma_start3A_51] : memref<100352xf32, #tpu.memory_space<vmem_shared>> -> memref<100352xf32, #tpu.memory_space<vmem_shared>>
    tpu.enqueue_indirect_dma source(%dma_start3A_52 : memref<100352xf32, #tpu.memory_space<vmem_shared>>) target(%dma_start3A_47 : memref<128xf32, #tpu.memory_space<vmem>>) offsets(%dma_start3A_50 : memref<128xi32, #tpu.memory_space<vmem>>) semaphore(%arg13 : memref<!tpu.dma_semaphore, #tpu.memory_space<semaphore_mem>>)
    %dma_start3A_53 = arith.constant 1 : i32
    %dma_start3A_54 = arith.constant 0 : i32
    %dma_start3A_55 = arith.constant 0 : i32
    %dma_start3A_56 = arith.constant 1 : i32
    %dma_start3A_57 = arith.constant 0 : i32
    %dma_start3A_58 = arith.constant 0 : i32
    %dma_start3A_59 = tpu.memref_slice %arg10[%dma_start3A_55, %dma_start3A_56, %dma_start3A_57, %dma_start3A_58] : memref<2x3x3x128xf32, #tpu.memory_space<vmem>> -> memref<1x1x1x128xf32, #tpu.memory_space<vmem>>
    %dma_start3A_60 = tpu.memref_squeeze %dma_start3A_59 : memref<1x1x1x128xf32, #tpu.memory_space<vmem>> -> memref<128xf32, #tpu.memory_space<vmem>>
    %dma_start3A_61 = arith.constant 0 : i32
    %dma_start3A_62 = tpu.memref_slice %arg11[%dma_start3A_53, %dma_start3A_54, %dma_start3A_61] : memref<3x50x128xi32, #tpu.memory_space<vmem>> -> memref<1x1x128xi32, #tpu.memory_space<vmem>>
    %dma_start3A_63 = tpu.memref_squeeze %dma_start3A_62 : memref<1x1x128xi32, #tpu.memory_space<vmem>> -> memref<128xi32, #tpu.memory_space<vmem>>
    %dma_start3A_64 = arith.constant 0 : i32
    %dma_start3A_65 = tpu.memref_slice %arg17[%dma_start3A_64] : memref<100352xf32, #tpu.memory_space<vmem_shared>> -> memref<100352xf32, #tpu.memory_space<vmem_shared>>
    tpu.enqueue_indirect_dma source(%dma_start3A_65 : memref<100352xf32, #tpu.memory_space<vmem_shared>>) target(%dma_start3A_60 : memref<128xf32, #tpu.memory_space<vmem>>) offsets(%dma_start3A_63 : memref<128xi32, #tpu.memory_space<vmem>>) semaphore(%arg13 : memref<!tpu.dma_semaphore, #tpu.memory_space<semaphore_mem>>)
    %dma_start3A_66 = arith.constant 1 : i32
    %dma_start3A_67 = arith.constant 0 : i32
    %dma_start3A_68 = arith.constant 0 : i32
    %dma_start3A_69 = arith.constant 1 : i32
    %dma_start3A_70 = arith.constant 1 : i32
    %dma_start3A_71 = arith.constant 0 : i32
    %dma_start3A_72 = tpu.memref_slice %arg10[%dma_start3A_68, %dma_start3A_69, %dma_start3A_70, %dma_start3A_71] : memref<2x3x3x128xf32, #tpu.memory_space<vmem>> -> memref<1x1x1x128xf32, #tpu.memory_space<vmem>>
    %dma_start3A_73 = tpu.memref_squeeze %dma_start3A_72 : memref<1x1x1x128xf32, #tpu.memory_space<vmem>> -> memref<128xf32, #tpu.memory_space<vmem>>
    %dma_start3A_74 = arith.constant 0 : i32
    %dma_start3A_75 = tpu.memref_slice %arg11[%dma_start3A_66, %dma_start3A_67, %dma_start3A_74] : memref<3x50x128xi32, #tpu.memory_space<vmem>> -> memref<1x1x128xi32, #tpu.memory_space<vmem>>
    %dma_start3A_76 = tpu.memref_squeeze %dma_start3A_75 : memref<1x1x128xi32, #tpu.memory_space<vmem>> -> memref<128xi32, #tpu.memory_space<vmem>>
    %dma_start3A_77 = arith.constant 0 : i32
    %dma_start3A_78 = tpu.memref_slice %arg18[%dma_start3A_77] : memref<100352xf32, #tpu.memory_space<vmem_shared>> -> memref<100352xf32, #tpu.memory_space<vmem_shared>>
    tpu.enqueue_indirect_dma source(%dma_start3A_78 : memref<100352xf32, #tpu.memory_space<vmem_shared>>) target(%dma_start3A_73 : memref<128xf32, #tpu.memory_space<vmem>>) offsets(%dma_start3A_76 : memref<128xi32, #tpu.memory_space<vmem>>) semaphore(%arg13 : memref<!tpu.dma_semaphore, #tpu.memory_space<semaphore_mem>>)
    %dma_start3A_79 = arith.constant 1 : i32
    %dma_start3A_80 = arith.constant 0 : i32
    %dma_start3A_81 = arith.constant 0 : i32
    %dma_start3A_82 = arith.constant 1 : i32
    %dma_start3A_83 = arith.constant 2 : i32
    %dma_start3A_84 = arith.constant 0 : i32
    %dma_start3A_85 = tpu.memref_slice %arg10[%dma_start3A_81, %dma_start3A_82, %dma_start3A_83, %dma_start3A_84] : memref<2x3x3x128xf32, #tpu.memory_space<vmem>> -> memref<1x1x1x128xf32, #tpu.memory_space<vmem>>
    %dma_start3A_86 = tpu.memref_squeeze %dma_start3A_85 : memref<1x1x1x128xf32, #tpu.memory_space<vmem>> -> memref<128xf32, #tpu.memory_space<vmem>>
    %dma_start3A_87 = arith.constant 0 : i32
    %dma_start3A_88 = tpu.memref_slice %arg11[%dma_start3A_79, %dma_start3A_80, %dma_start3A_87] : memref<3x50x128xi32, #tpu.memory_space<vmem>> -> memref<1x1x128xi32, #tpu.memory_space<vmem>>
    %dma_start3A_89 = tpu.memref_squeeze %dma_start3A_88 : memref<1x1x128xi32, #tpu.memory_space<vmem>> -> memref<128xi32, #tpu.memory_space<vmem>>
    %dma_start3A_90 = arith.constant 0 : i32
    %dma_start3A_91 = tpu.memref_slice %arg15[%dma_start3A_90] : memref<100352xf32, #tpu.memory_space<vmem_shared>> -> memref<100352xf32, #tpu.memory_space<vmem_shared>>
    tpu.enqueue_indirect_dma source(%dma_start3A_91 : memref<100352xf32, #tpu.memory_space<vmem_shared>>) target(%dma_start3A_86 : memref<128xf32, #tpu.memory_space<vmem>>) offsets(%dma_start3A_89 : memref<128xi32, #tpu.memory_space<vmem>>) semaphore(%arg13 : memref<!tpu.dma_semaphore, #tpu.memory_space<semaphore_mem>>)
    %dma_start3A_92 = arith.constant 2 : i32
    %dma_start3A_93 = arith.constant 0 : i32
    %dma_start3A_94 = arith.constant 0 : i32
    %dma_start3A_95 = arith.constant 2 : i32
    %dma_start3A_96 = arith.constant 0 : i32
    %dma_start3A_97 = arith.constant 0 : i32
    %dma_start3A_98 = tpu.memref_slice %arg10[%dma_start3A_94, %dma_start3A_95, %dma_start3A_96, %dma_start3A_97] : memref<2x3x3x128xf32, #tpu.memory_space<vmem>> -> memref<1x1x1x128xf32, #tpu.memory_space<vmem>>
    %dma_start3A_99 = tpu.memref_squeeze %dma_start3A_98 : memref<1x1x1x128xf32, #tpu.memory_space<vmem>> -> memref<128xf32, #tpu.memory_space<vmem>>
    %dma_start3A_100 = arith.constant 0 : i32
    %dma_start3A_101 = tpu.memref_slice %arg11[%dma_start3A_92, %dma_start3A_93, %dma_start3A_100] : memref<3x50x128xi32, #tpu.memory_space<vmem>> -> memref<1x1x128xi32, #tpu.memory_space<vmem>>
    %dma_start3A_102 = tpu.memref_squeeze %dma_start3A_101 : memref<1x1x128xi32, #tpu.memory_space<vmem>> -> memref<128xi32, #tpu.memory_space<vmem>>
    %dma_start3A_103 = arith.constant 0 : i32
    %dma_start3A_104 = tpu.memref_slice %arg17[%dma_start3A_103] : memref<100352xf32, #tpu.memory_space<vmem_shared>> -> memref<100352xf32, #tpu.memory_space<vmem_shared>>
    tpu.enqueue_indirect_dma source(%dma_start3A_104 : memref<100352xf32, #tpu.memory_space<vmem_shared>>) target(%dma_start3A_99 : memref<128xf32, #tpu.memory_space<vmem>>) offsets(%dma_start3A_102 : memref<128xi32, #tpu.memory_space<vmem>>) semaphore(%arg13 : memref<!tpu.dma_semaphore, #tpu.memory_space<semaphore_mem>>)
    %dma_start3A_105 = arith.constant 2 : i32
    %dma_start3A_106 = arith.constant 0 : i32
    %dma_start3A_107 = arith.constant 0 : i32
    %dma_start3A_108 = arith.constant 2 : i32
    %dma_start3A_109 = arith.constant 1 : i32
    %dma_start3A_110 = arith.constant 0 : i32
    %dma_start3A_111 = tpu.memref_slice %arg10[%dma_start3A_107, %dma_start3A_108, %dma_start3A_109, %dma_start3A_110] : memref<2x3x3x128xf32, #tpu.memory_space<vmem>> -> memref<1x1x1x128xf32, #tpu.memory_space<vmem>>
    %dma_start3A_112 = tpu.memref_squeeze %dma_start3A_111 : memref<1x1x1x128xf32, #tpu.memory_space<vmem>> -> memref<128xf32, #tpu.memory_space<vmem>>
    %dma_start3A_113 = arith.constant 0 : i32
    %dma_start3A_114 = tpu.memref_slice %arg11[%dma_start3A_105, %dma_start3A_106, %dma_start3A_113] : memref<3x50x128xi32, #tpu.memory_space<vmem>> -> memref<1x1x128xi32, #tpu.memory_space<vmem>>
    %dma_start3A_115 = tpu.memref_squeeze %dma_start3A_114 : memref<1x1x128xi32, #tpu.memory_space<vmem>> -> memref<128xi32, #tpu.memory_space<vmem>>
    %dma_start3A_116 = arith.constant 0 : i32
    %dma_start3A_117 = tpu.memref_slice %arg18[%dma_start3A_116] : memref<100352xf32, #tpu.memory_space<vmem_shared>> -> memref<100352xf32, #tpu.memory_space<vmem_shared>>
    tpu.enqueue_indirect_dma source(%dma_start3A_117 : memref<100352xf32, #tpu.memory_space<vmem_shared>>) target(%dma_start3A_112 : memref<128xf32, #tpu.memory_space<vmem>>) offsets(%dma_start3A_115 : memref<128xi32, #tpu.memory_space<vmem>>) semaphore(%arg13 : memref<!tpu.dma_semaphore, #tpu.memory_space<semaphore_mem>>)
    %dma_start3A_118 = arith.constant 2 : i32
    %dma_start3A_119 = arith.constant 0 : i32
    %dma_start3A_120 = arith.constant 0 : i32
    %dma_start3A_121 = arith.constant 2 : i32
    %dma_start3A_122 = arith.constant 2 : i32
    %dma_start3A_123 = arith.constant 0 : i32
    %dma_start3A_124 = tpu.memref_slice %arg10[%dma_start3A_120, %dma_start3A_121, %dma_start3A_122, %dma_start3A_123] : memref<2x3x3x128xf32, #tpu.memory_space<vmem>> -> memref<1x1x1x128xf32, #tpu.memory_space<vmem>>
    %dma_start3A_125 = tpu.memref_squeeze %dma_start3A_124 : memref<1x1x1x128xf32, #tpu.memory_space<vmem>> -> memref<128xf32, #tpu.memory_space<vmem>>
    %dma_start3A_126 = arith.constant 0 : i32
    %dma_start3A_127 = tpu.memref_slice %arg11[%dma_start3A_118, %dma_start3A_119, %dma_start3A_126] : memref<3x50x128xi32, #tpu.memory_space<vmem>> -> memref<1x1x128xi32, #tpu.memory_space<vmem>>
    %dma_start3A_128 = tpu.memref_squeeze %dma_start3A_127 : memref<1x1x128xi32, #tpu.memory_space<vmem>> -> memref<128xi32, #tpu.memory_space<vmem>>
    %dma_start3A_129 = arith.constant 0 : i32
    %dma_start3A_130 = tpu.memref_slice %arg15[%dma_start3A_129] : memref<100352xf32, #tpu.memory_space<vmem_shared>> -> memref<100352xf32, #tpu.memory_space<vmem_shared>>
    tpu.enqueue_indirect_dma source(%dma_start3A_130 : memref<100352xf32, #tpu.memory_space<vmem_shared>>) target(%dma_start3A_125 : memref<128xf32, #tpu.memory_space<vmem>>) offsets(%dma_start3A_128 : memref<128xi32, #tpu.memory_space<vmem>>) semaphore(%arg13 : memref<!tpu.dma_semaphore, #tpu.memory_space<semaphore_mem>>)
    %scan3A = arith.constant 0 : i32
    %scan3A_131 = arith.constant 0 : i32
    %scan3A_132 = arith.constant 49 : i32
    %scan3A_133 = arith.addi %scan3A_131, %scan3A_132 : i32
    %scan3A_134 = arith.constant 1 : i32
    scf.for %scan3A_187 = %scan3A_131 to %scan3A_133 step %scan3A_134  : i32 {
      %rem3A = arith.constant 2 : i32
      %rem3A_188 = arith.remsi %scan3A_187, %rem3A : i32
      %dma_wait3A_189 = arith.constant 0 : i32
      %dma_wait3A_190 = arith.constant 0 : i32
      %dma_wait3A_191 = arith.constant 0 : i32
      %dma_wait3A_192 = tpu.memref_slice %arg10[%rem3A_188, %dma_wait3A_189, %dma_wait3A_190, %dma_wait3A_191] : memref<2x3x3x128xf32, #tpu.memory_space<vmem>> -> memref<1x3x3x128xf32, #tpu.memory_space<vmem>>
      %dma_wait3A_193 = tpu.memref_squeeze %dma_wait3A_192 : memref<1x3x3x128xf32, #tpu.memory_space<vmem>> -> memref<3x3x128xf32, #tpu.memory_space<vmem>>
      %dma_wait3A_194 = arith.constant 0 : i32
      %dma_wait3A_195 = arith.constant 0 : i32
      %dma_wait3A_196 = arith.constant 0 : i32
      %dma_wait3A_197 = tpu.memref_slice %arg10[%rem3A_188, %dma_wait3A_194, %dma_wait3A_195, %dma_wait3A_196] : memref<2x3x3x128xf32, #tpu.memory_space<vmem>> -> memref<1x3x3x128xf32, #tpu.memory_space<vmem>>
      %dma_wait3A_198 = tpu.memref_squeeze %dma_wait3A_197 : memref<1x3x3x128xf32, #tpu.memory_space<vmem>> -> memref<3x3x128xf32, #tpu.memory_space<vmem>>
      tpu.wait_dma2 semaphore(%arg13 : memref<!tpu.dma_semaphore, #tpu.memory_space<semaphore_mem>>) src(%arg7 : memref<3x3x128xf32, #tpu.memory_space<hbm>>) dst(%dma_wait3A_198 : memref<3x3x128xf32, #tpu.memory_space<vmem>>)
      %add3A_199 = arith.constant 1 : i32
      %add3A_200 = arith.addi %scan3A_187, %add3A_199 : i32
      %sub3A = arith.constant 1 : i32
      %sub3A_201 = arith.subi %sub3A, %rem3A_188 : i32
      %dma_start3A_202 = arith.constant 0 : i32
      %dma_start3A_203 = arith.constant 0 : i32
      %dma_start3A_204 = arith.constant 0 : i32
      %dma_start3A_205 = arith.constant 0 : i32
      %dma_start3A_206 = tpu.memref_slice %arg10[%sub3A_201, %dma_start3A_203, %dma_start3A_204, %dma_start3A_205] : memref<2x3x3x128xf32, #tpu.memory_space<vmem>> -> memref<1x1x1x128xf32, #tpu.memory_space<vmem>>
      %dma_start3A_207 = tpu.memref_squeeze %dma_start3A_206 : memref<1x1x1x128xf32, #tpu.memory_space<vmem>> -> memref<128xf32, #tpu.memory_space<vmem>>
      %dma_start3A_208 = arith.constant 0 : i32
      %dma_start3A_209 = tpu.memref_slice %arg11[%dma_start3A_202, %add3A_200, %dma_start3A_208] : memref<3x50x128xi32, #tpu.memory_space<vmem>> -> memref<1x1x128xi32, #tpu.memory_space<vmem>>
      %dma_start3A_210 = tpu.memref_squeeze %dma_start3A_209 : memref<1x1x128xi32, #tpu.memory_space<vmem>> -> memref<128xi32, #tpu.memory_space<vmem>>
      %dma_start3A_211 = arith.constant 0 : i32
      %dma_start3A_212 = tpu.memref_slice %arg17[%dma_start3A_211] : memref<100352xf32, #tpu.memory_space<vmem_shared>> -> memref<100352xf32, #tpu.memory_space<vmem_shared>>
      tpu.enqueue_indirect_dma source(%dma_start3A_212 : memref<100352xf32, #tpu.memory_space<vmem_shared>>) target(%dma_start3A_207 : memref<128xf32, #tpu.memory_space<vmem>>) offsets(%dma_start3A_210 : memref<128xi32, #tpu.memory_space<vmem>>) semaphore(%arg13 : memref<!tpu.dma_semaphore, #tpu.memory_space<semaphore_mem>>)
      %dma_start3A_213 = arith.constant 0 : i32
      %dma_start3A_214 = arith.constant 0 : i32
      %dma_start3A_215 = arith.constant 1 : i32
      %dma_start3A_216 = arith.constant 0 : i32
      %dma_start3A_217 = tpu.memref_slice %arg10[%sub3A_201, %dma_start3A_214, %dma_start3A_215, %dma_start3A_216] : memref<2x3x3x128xf32, #tpu.memory_space<vmem>> -> memref<1x1x1x128xf32, #tpu.memory_space<vmem>>
      %dma_start3A_218 = tpu.memref_squeeze %dma_start3A_217 : memref<1x1x1x128xf32, #tpu.memory_space<vmem>> -> memref<128xf32, #tpu.memory_space<vmem>>
      %dma_start3A_219 = arith.constant 0 : i32
      %dma_start3A_220 = tpu.memref_slice %arg11[%dma_start3A_213, %add3A_200, %dma_start3A_219] : memref<3x50x128xi32, #tpu.memory_space<vmem>> -> memref<1x1x128xi32, #tpu.memory_space<vmem>>
      %dma_start3A_221 = tpu.memref_squeeze %dma_start3A_220 : memref<1x1x128xi32, #tpu.memory_space<vmem>> -> memref<128xi32, #tpu.memory_space<vmem>>
      %dma_start3A_222 = arith.constant 0 : i32
      %dma_start3A_223 = tpu.memref_slice %arg18[%dma_start3A_222] : memref<100352xf32, #tpu.memory_space<vmem_shared>> -> memref<100352xf32, #tpu.memory_space<vmem_shared>>
      tpu.enqueue_indirect_dma source(%dma_start3A_223 : memref<100352xf32, #tpu.memory_space<vmem_shared>>) target(%dma_start3A_218 : memref<128xf32, #tpu.memory_space<vmem>>) offsets(%dma_start3A_221 : memref<128xi32, #tpu.memory_space<vmem>>) semaphore(%arg13 : memref<!tpu.dma_semaphore, #tpu.memory_space<semaphore_mem>>)
      %dma_start3A_224 = arith.constant 0 : i32
      %dma_start3A_225 = arith.constant 0 : i32
      %dma_start3A_226 = arith.constant 2 : i32
      %dma_start3A_227 = arith.constant 0 : i32
      %dma_start3A_228 = tpu.memref_slice %arg10[%sub3A_201, %dma_start3A_225, %dma_start3A_226, %dma_start3A_227] : memref<2x3x3x128xf32, #tpu.memory_space<vmem>> -> memref<1x1x1x128xf32, #tpu.memory_space<vmem>>
      %dma_start3A_229 = tpu.memref_squeeze %dma_start3A_228 : memref<1x1x1x128xf32, #tpu.memory_space<vmem>> -> memref<128xf32, #tpu.memory_space<vmem>>
      %dma_start3A_230 = arith.constant 0 : i32
      %dma_start3A_231 = tpu.memref_slice %arg11[%dma_start3A_224, %add3A_200, %dma_start3A_230] : memref<3x50x128xi32, #tpu.memory_space<vmem>> -> memref<1x1x128xi32, #tpu.memory_space<vmem>>
      %dma_start3A_232 = tpu.memref_squeeze %dma_start3A_231 : memref<1x1x128xi32, #tpu.memory_space<vmem>> -> memref<128xi32, #tpu.memory_space<vmem>>
      %dma_start3A_233 = arith.constant 0 : i32
      %dma_start3A_234 = tpu.memref_slice %arg15[%dma_start3A_233] : memref<100352xf32, #tpu.memory_space<vmem_shared>> -> memref<100352xf32, #tpu.memory_space<vmem_shared>>
      tpu.enqueue_indirect_dma source(%dma_start3A_234 : memref<100352xf32, #tpu.memory_space<vmem_shared>>) target(%dma_start3A_229 : memref<128xf32, #tpu.memory_space<vmem>>) offsets(%dma_start3A_232 : memref<128xi32, #tpu.memory_space<vmem>>) semaphore(%arg13 : memref<!tpu.dma_semaphore, #tpu.memory_space<semaphore_mem>>)
      %dma_start3A_235 = arith.constant 1 : i32
      %dma_start3A_236 = arith.constant 1 : i32
      %dma_start3A_237 = arith.constant 0 : i32
      %dma_start3A_238 = arith.constant 0 : i32
      %dma_start3A_239 = tpu.memref_slice %arg10[%sub3A_201, %dma_start3A_236, %dma_start3A_237, %dma_start3A_238] : memref<2x3x3x128xf32, #tpu.memory_space<vmem>> -> memref<1x1x1x128xf32, #tpu.memory_space<vmem>>
      %dma_start3A_240 = tpu.memref_squeeze %dma_start3A_239 : memref<1x1x1x128xf32, #tpu.memory_space<vmem>> -> memref<128xf32, #tpu.memory_space<vmem>>
      %dma_start3A_241 = arith.constant 0 : i32
      %dma_start3A_242 = tpu.memref_slice %arg11[%dma_start3A_235, %add3A_200, %dma_start3A_241] : memref<3x50x128xi32, #tpu.memory_space<vmem>> -> memref<1x1x128xi32, #tpu.memory_space<vmem>>
      %dma_start3A_243 = tpu.memref_squeeze %dma_start3A_242 : memref<1x1x128xi32, #tpu.memory_space<vmem>> -> memref<128xi32, #tpu.memory_space<vmem>>
      %dma_start3A_244 = arith.constant 0 : i32
      %dma_start3A_245 = tpu.memref_slice %arg17[%dma_start3A_244] : memref<100352xf32, #tpu.memory_space<vmem_shared>> -> memref<100352xf32, #tpu.memory_space<vmem_shared>>
      tpu.enqueue_indirect_dma source(%dma_start3A_245 : memref<100352xf32, #tpu.memory_space<vmem_shared>>) target(%dma_start3A_240 : memref<128xf32, #tpu.memory_space<vmem>>) offsets(%dma_start3A_243 : memref<128xi32, #tpu.memory_space<vmem>>) semaphore(%arg13 : memref<!tpu.dma_semaphore, #tpu.memory_space<semaphore_mem>>)
      %dma_start3A_246 = arith.constant 1 : i32
      %dma_start3A_247 = arith.constant 1 : i32
      %dma_start3A_248 = arith.constant 1 : i32
      %dma_start3A_249 = arith.constant 0 : i32
      %dma_start3A_250 = tpu.memref_slice %arg10[%sub3A_201, %dma_start3A_247, %dma_start3A_248, %dma_start3A_249] : memref<2x3x3x128xf32, #tpu.memory_space<vmem>> -> memref<1x1x1x128xf32, #tpu.memory_space<vmem>>
      %dma_start3A_251 = tpu.memref_squeeze %dma_start3A_250 : memref<1x1x1x128xf32, #tpu.memory_space<vmem>> -> memref<128xf32, #tpu.memory_space<vmem>>
      %dma_start3A_252 = arith.constant 0 : i32
      %dma_start3A_253 = tpu.memref_slice %arg11[%dma_start3A_246, %add3A_200, %dma_start3A_252] : memref<3x50x128xi32, #tpu.memory_space<vmem>> -> memref<1x1x128xi32, #tpu.memory_space<vmem>>
      %dma_start3A_254 = tpu.memref_squeeze %dma_start3A_253 : memref<1x1x128xi32, #tpu.memory_space<vmem>> -> memref<128xi32, #tpu.memory_space<vmem>>
      %dma_start3A_255 = arith.constant 0 : i32
      %dma_start3A_256 = tpu.memref_slice %arg18[%dma_start3A_255] : memref<100352xf32, #tpu.memory_space<vmem_shared>> -> memref<100352xf32, #tpu.memory_space<vmem_shared>>
      tpu.enqueue_indirect_dma source(%dma_start3A_256 : memref<100352xf32, #tpu.memory_space<vmem_shared>>) target(%dma_start3A_251 : memref<128xf32, #tpu.memory_space<vmem>>) offsets(%dma_start3A_254 : memref<128xi32, #tpu.memory_space<vmem>>) semaphore(%arg13 : memref<!tpu.dma_semaphore, #tpu.memory_space<semaphore_mem>>)
      %dma_start3A_257 = arith.constant 1 : i32
      %dma_start3A_258 = arith.constant 1 : i32
      %dma_start3A_259 = arith.constant 2 : i32
      %dma_start3A_260 = arith.constant 0 : i32
      %dma_start3A_261 = tpu.memref_slice %arg10[%sub3A_201, %dma_start3A_258, %dma_start3A_259, %dma_start3A_260] : memref<2x3x3x128xf32, #tpu.memory_space<vmem>> -> memref<1x1x1x128xf32, #tpu.memory_space<vmem>>
      %dma_start3A_262 = tpu.memref_squeeze %dma_start3A_261 : memref<1x1x1x128xf32, #tpu.memory_space<vmem>> -> memref<128xf32, #tpu.memory_space<vmem>>
      %dma_start3A_263 = arith.constant 0 : i32
      %dma_start3A_264 = tpu.memref_slice %arg11[%dma_start3A_257, %add3A_200, %dma_start3A_263] : memref<3x50x128xi32, #tpu.memory_space<vmem>> -> memref<1x1x128xi32, #tpu.memory_space<vmem>>
      %dma_start3A_265 = tpu.memref_squeeze %dma_start3A_264 : memref<1x1x128xi32, #tpu.memory_space<vmem>> -> memref<128xi32, #tpu.memory_space<vmem>>
      %dma_start3A_266 = arith.constant 0 : i32
      %dma_start3A_267 = tpu.memref_slice %arg15[%dma_start3A_266] : memref<100352xf32, #tpu.memory_space<vmem_shared>> -> memref<100352xf32, #tpu.memory_space<vmem_shared>>
      tpu.enqueue_indirect_dma source(%dma_start3A_267 : memref<100352xf32, #tpu.memory_space<vmem_shared>>) target(%dma_start3A_262 : memref<128xf32, #tpu.memory_space<vmem>>) offsets(%dma_start3A_265 : memref<128xi32, #tpu.memory_space<vmem>>) semaphore(%arg13 : memref<!tpu.dma_semaphore, #tpu.memory_space<semaphore_mem>>)
      %dma_start3A_268 = arith.constant 2 : i32
      %dma_start3A_269 = arith.constant 2 : i32
      %dma_start3A_270 = arith.constant 0 : i32
      %dma_start3A_271 = arith.constant 0 : i32
      %dma_start3A_272 = tpu.memref_slice %arg10[%sub3A_201, %dma_start3A_269, %dma_start3A_270, %dma_start3A_271] : memref<2x3x3x128xf32, #tpu.memory_space<vmem>> -> memref<1x1x1x128xf32, #tpu.memory_space<vmem>>
      %dma_start3A_273 = tpu.memref_squeeze %dma_start3A_272 : memref<1x1x1x128xf32, #tpu.memory_space<vmem>> -> memref<128xf32, #tpu.memory_space<vmem>>
      %dma_start3A_274 = arith.constant 0 : i32
      %dma_start3A_275 = tpu.memref_slice %arg11[%dma_start3A_268, %add3A_200, %dma_start3A_274] : memref<3x50x128xi32, #tpu.memory_space<vmem>> -> memref<1x1x128xi32, #tpu.memory_space<vmem>>
      %dma_start3A_276 = tpu.memref_squeeze %dma_start3A_275 : memref<1x1x128xi32, #tpu.memory_space<vmem>> -> memref<128xi32, #tpu.memory_space<vmem>>
      %dma_start3A_277 = arith.constant 0 : i32
      %dma_start3A_278 = tpu.memref_slice %arg17[%dma_start3A_277] : memref<100352xf32, #tpu.memory_space<vmem_shared>> -> memref<100352xf32, #tpu.memory_space<vmem_shared>>
      tpu.enqueue_indirect_dma source(%dma_start3A_278 : memref<100352xf32, #tpu.memory_space<vmem_shared>>) target(%dma_start3A_273 : memref<128xf32, #tpu.memory_space<vmem>>) offsets(%dma_start3A_276 : memref<128xi32, #tpu.memory_space<vmem>>) semaphore(%arg13 : memref<!tpu.dma_semaphore, #tpu.memory_space<semaphore_mem>>)
      %dma_start3A_279 = arith.constant 2 : i32
      %dma_start3A_280 = arith.constant 2 : i32
      %dma_start3A_281 = arith.constant 1 : i32
      %dma_start3A_282 = arith.constant 0 : i32
      %dma_start3A_283 = tpu.memref_slice %arg10[%sub3A_201, %dma_start3A_280, %dma_start3A_281, %dma_start3A_282] : memref<2x3x3x128xf32, #tpu.memory_space<vmem>> -> memref<1x1x1x128xf32, #tpu.memory_space<vmem>>
      %dma_start3A_284 = tpu.memref_squeeze %dma_start3A_283 : memref<1x1x1x128xf32, #tpu.memory_space<vmem>> -> memref<128xf32, #tpu.memory_space<vmem>>
      %dma_start3A_285 = arith.constant 0 : i32
      %dma_start3A_286 = tpu.memref_slice %arg11[%dma_start3A_279, %add3A_200, %dma_start3A_285] : memref<3x50x128xi32, #tpu.memory_space<vmem>> -> memref<1x1x128xi32, #tpu.memory_space<vmem>>
      %dma_start3A_287 = tpu.memref_squeeze %dma_start3A_286 : memref<1x1x128xi32, #tpu.memory_space<vmem>> -> memref<128xi32, #tpu.memory_space<vmem>>
      %dma_start3A_288 = arith.constant 0 : i32
      %dma_start3A_289 = tpu.memref_slice %arg18[%dma_start3A_288] : memref<100352xf32, #tpu.memory_space<vmem_shared>> -> memref<100352xf32, #tpu.memory_space<vmem_shared>>
      tpu.enqueue_indirect_dma source(%dma_start3A_289 : memref<100352xf32, #tpu.memory_space<vmem_shared>>) target(%dma_start3A_284 : memref<128xf32, #tpu.memory_space<vmem>>) offsets(%dma_start3A_287 : memref<128xi32, #tpu.memory_space<vmem>>) semaphore(%arg13 : memref<!tpu.dma_semaphore, #tpu.memory_space<semaphore_mem>>)
      %dma_start3A_290 = arith.constant 2 : i32
      %dma_start3A_291 = arith.constant 2 : i32
      %dma_start3A_292 = arith.constant 2 : i32
      %dma_start3A_293 = arith.constant 0 : i32
      %dma_start3A_294 = tpu.memref_slice %arg10[%sub3A_201, %dma_start3A_291, %dma_start3A_292, %dma_start3A_293] : memref<2x3x3x128xf32, #tpu.memory_space<vmem>> -> memref<1x1x1x128xf32, #tpu.memory_space<vmem>>
      %dma_start3A_295 = tpu.memref_squeeze %dma_start3A_294 : memref<1x1x1x128xf32, #tpu.memory_space<vmem>> -> memref<128xf32, #tpu.memory_space<vmem>>
      %dma_start3A_296 = arith.constant 0 : i32
      %dma_start3A_297 = tpu.memref_slice %arg11[%dma_start3A_290, %add3A_200, %dma_start3A_296] : memref<3x50x128xi32, #tpu.memory_space<vmem>> -> memref<1x1x128xi32, #tpu.memory_space<vmem>>
      %dma_start3A_298 = tpu.memref_squeeze %dma_start3A_297 : memref<1x1x128xi32, #tpu.memory_space<vmem>> -> memref<128xi32, #tpu.memory_space<vmem>>
      %dma_start3A_299 = arith.constant 0 : i32
      %dma_start3A_300 = tpu.memref_slice %arg15[%dma_start3A_299] : memref<100352xf32, #tpu.memory_space<vmem_shared>> -> memref<100352xf32, #tpu.memory_space<vmem_shared>>
      tpu.enqueue_indirect_dma source(%dma_start3A_300 : memref<100352xf32, #tpu.memory_space<vmem_shared>>) target(%dma_start3A_295 : memref<128xf32, #tpu.memory_space<vmem>>) offsets(%dma_start3A_298 : memref<128xi32, #tpu.memory_space<vmem>>) semaphore(%arg13 : memref<!tpu.dma_semaphore, #tpu.memory_space<semaphore_mem>>)
      %ge3A = arith.constant 2 : i32
      %ge3A_301 = arith.cmpi sge, %scan3A_187, %ge3A : i32
      %convert_element_type3A = arith.extui %ge3A_301 : i1 to i32
      %cond3A = arith.constant 0 : i32
      %cond3A_302 = arith.cmpi ne, %convert_element_type3A, %cond3A : i32
      scf.if %cond3A_302 {
        %dma_wait3A_1525 = arith.constant 0 : i32
        %dma_wait3A_1526 = arith.constant 0 : i32
        %dma_wait3A_1527 = arith.constant 0 : i32
        %dma_wait3A_1528 = tpu.memref_slice %arg16[%rem3A_188, %dma_wait3A_1526, %dma_wait3A_1527] : memref<2x3x128xf32, #tpu.memory_space<vmem>> -> memref<1x3x128xf32, #tpu.memory_space<vmem>>
        %dma_wait3A_1529 = tpu.memref_squeeze %dma_wait3A_1528 : memref<1x3x128xf32, #tpu.memory_space<vmem>> -> memref<3x128xf32, #tpu.memory_space<vmem>>
        %dma_wait3A_1530 = arith.constant 0 : i32
        %dma_wait3A_1531 = arith.constant 0 : i32
        %dma_wait3A_1532 = tpu.memref_slice %arg7[%dma_wait3A_1525, %dma_wait3A_1530, %dma_wait3A_1531] : memref<3x3x128xf32, #tpu.memory_space<hbm>> -> memref<1x3x128xf32, #tpu.memory_space<hbm>>
        %dma_wait3A_1533 = tpu.memref_squeeze %dma_wait3A_1532 : memref<1x3x128xf32, #tpu.memory_space<hbm>> -> memref<3x128xf32, #tpu.memory_space<hbm>>
        %dma_wait3A_1534 = arith.constant 0 : i32
        %dma_wait3A_1535 = arith.constant 0 : i32
        %dma_wait3A_1536 = tpu.memref_slice %arg16[%rem3A_188, %dma_wait3A_1534, %dma_wait3A_1535] : memref<2x3x128xf32, #tpu.memory_space<vmem>> -> memref<1x3x128xf32, #tpu.memory_space<vmem>>
        %dma_wait3A_1537 = tpu.memref_squeeze %dma_wait3A_1536 : memref<1x3x128xf32, #tpu.memory_space<vmem>> -> memref<3x128xf32, #tpu.memory_space<vmem>>
        %dma_wait3A_1538 = arith.constant 0 : i32
        %dma_wait3A_1539 = arith.constant 0 : i32
        %dma_wait3A_1540 = tpu.memref_slice %arg7[%dma_wait3A_1525, %dma_wait3A_1538, %dma_wait3A_1539] : memref<3x3x128xf32, #tpu.memory_space<hbm>> -> memref<1x3x128xf32, #tpu.memory_space<hbm>>
        %dma_wait3A_1541 = tpu.memref_squeeze %dma_wait3A_1540 : memref<1x3x128xf32, #tpu.memory_space<hbm>> -> memref<3x128xf32, #tpu.memory_space<hbm>>
        tpu.wait_dma2 semaphore(%arg14 : memref<!tpu.dma_semaphore, #tpu.memory_space<semaphore_mem>>) src(%dma_wait3A_1541 : memref<3x128xf32, #tpu.memory_space<hbm>>) dst(%dma_wait3A_1537 : memref<3x128xf32, #tpu.memory_space<vmem>>)
      } else {
      }
      %get3A = arith.constant 0 : i32
      %get3A_303 = arith.constant 0 : i32
      %get3A_304 = arith.index_cast %rem3A_188 : i32 to index
      %get3A_305 = arith.index_cast %get3A : i32 to index
      %get3A_306 = arith.index_cast %get3A_303 : i32 to index
      %get3A_307 = arith.constant 0 : index
      %get3A_308 = tpu.vector_load %arg10[%get3A_304, %get3A_305, %get3A_306, %get3A_307] {strides = array<i32>} : memref<2x3x3x128xf32, #tpu.memory_space<vmem>>, vector<1x1x1x16xf32>,
      %get3A_309 = vector.shape_cast %get3A_308 : vector<1x1x1x16xf32> to vector<16xf32>
      %get3A_310 = arith.constant 0 : i32
      %get3A_311 = arith.constant 1 : i32
      %get3A_312 = arith.index_cast %rem3A_188 : i32 to index
      %get3A_313 = arith.index_cast %get3A_310 : i32 to index
      %get3A_314 = arith.index_cast %get3A_311 : i32 to index
      %get3A_315 = arith.constant 0 : index
      %get3A_316 = tpu.vector_load %arg10[%get3A_312, %get3A_313, %get3A_314, %get3A_315] {strides = array<i32>} : memref<2x3x3x128xf32, #tpu.memory_space<vmem>>, vector<1x1x1x16xf32>,
      %get3A_317 = vector.shape_cast %get3A_316 : vector<1x1x1x16xf32> to vector<16xf32>
      %get3A_318 = arith.constant 0 : i32
      %get3A_319 = arith.constant 2 : i32
      %get3A_320 = arith.index_cast %rem3A_188 : i32 to index
      %get3A_321 = arith.index_cast %get3A_318 : i32 to index
      %get3A_322 = arith.index_cast %get3A_319 : i32 to index
      %get3A_323 = arith.constant 0 : index
      %get3A_324 = tpu.vector_load %arg10[%get3A_320, %get3A_321, %get3A_322, %get3A_323] {strides = array<i32>} : memref<2x3x3x128xf32, #tpu.memory_space<vmem>>, vector<1x1x1x16xf32>,
      %get3A_325 = vector.shape_cast %get3A_324 : vector<1x1x1x16xf32> to vector<16xf32>
      %get3A_326 = arith.constant 1 : i32
      %get3A_327 = arith.constant 0 : i32
      %get3A_328 = arith.index_cast %rem3A_188 : i32 to index
      %get3A_329 = arith.index_cast %get3A_326 : i32 to index
      %get3A_330 = arith.index_cast %get3A_327 : i32 to index
      %get3A_331 = arith.constant 0 : index
      %get3A_332 = tpu.vector_load %arg10[%get3A_328, %get3A_329, %get3A_330, %get3A_331] {strides = array<i32>} : memref<2x3x3x128xf32, #tpu.memory_space<vmem>>, vector<1x1x1x16xf32>,
      %get3A_333 = vector.shape_cast %get3A_332 : vector<1x1x1x16xf32> to vector<16xf32>
      %get3A_334 = arith.constant 1 : i32
      %get3A_335 = arith.constant 1 : i32
      %get3A_336 = arith.index_cast %rem3A_188 : i32 to index
      %get3A_337 = arith.index_cast %get3A_334 : i32 to index
      %get3A_338 = arith.index_cast %get3A_335 : i32 to index
      %get3A_339 = arith.constant 0 : index
      %get3A_340 = tpu.vector_load %arg10[%get3A_336, %get3A_337, %get3A_338, %get3A_339] {strides = array<i32>} : memref<2x3x3x128xf32, #tpu.memory_space<vmem>>, vector<1x1x1x16xf32>,
      %get3A_341 = vector.shape_cast %get3A_340 : vector<1x1x1x16xf32> to vector<16xf32>
      %get3A_342 = arith.constant 1 : i32
      %get3A_343 = arith.constant 2 : i32
      %get3A_344 = arith.index_cast %rem3A_188 : i32 to index
      %get3A_345 = arith.index_cast %get3A_342 : i32 to index
      %get3A_346 = arith.index_cast %get3A_343 : i32 to index
      %get3A_347 = arith.constant 0 : index
      %get3A_348 = tpu.vector_load %arg10[%get3A_344, %get3A_345, %get3A_346, %get3A_347] {strides = array<i32>} : memref<2x3x3x128xf32, #tpu.memory_space<vmem>>, vector<1x1x1x16xf32>,
      %get3A_349 = vector.shape_cast %get3A_348 : vector<1x1x1x16xf32> to vector<16xf32>
      %get3A_350 = arith.constant 2 : i32
      %get3A_351 = arith.constant 0 : i32
      %get3A_352 = arith.index_cast %rem3A_188 : i32 to index
      %get3A_353 = arith.index_cast %get3A_350 : i32 to index
      %get3A_354 = arith.index_cast %get3A_351 : i32 to index
      %get3A_355 = arith.constant 0 : index
      %get3A_356 = tpu.vector_load %arg10[%get3A_352, %get3A_353, %get3A_354, %get3A_355] {strides = array<i32>} : memref<2x3x3x128xf32, #tpu.memory_space<vmem>>, vector<1x1x1x16xf32>,
      %get3A_357 = vector.shape_cast %get3A_356 : vector<1x1x1x16xf32> to vector<16xf32>
      %get3A_358 = arith.constant 2 : i32
      %get3A_359 = arith.constant 1 : i32
      %get3A_360 = arith.index_cast %rem3A_188 : i32 to index
      %get3A_361 = arith.index_cast %get3A_358 : i32 to index
      %get3A_362 = arith.index_cast %get3A_359 : i32 to index
      %get3A_363 = arith.constant 0 : index
      %get3A_364 = tpu.vector_load %arg10[%get3A_360, %get3A_361, %get3A_362, %get3A_363] {strides = array<i32>} : memref<2x3x3x128xf32, #tpu.memory_space<vmem>>, vector<1x1x1x16xf32>,
      %get3A_365 = vector.shape_cast %get3A_364 : vector<1x1x1x16xf32> to vector<16xf32>
      %get3A_366 = arith.constant 2 : i32
      %get3A_367 = arith.constant 2 : i32
      %get3A_368 = arith.index_cast %rem3A_188 : i32 to index
      %get3A_369 = arith.index_cast %get3A_366 : i32 to index
      %get3A_370 = arith.index_cast %get3A_367 : i32 to index
      %get3A_371 = arith.constant 0 : index
      %get3A_372 = tpu.vector_load %arg10[%get3A_368, %get3A_369, %get3A_370, %get3A_371] {strides = array<i32>} : memref<2x3x3x128xf32, #tpu.memory_space<vmem>>, vector<1x1x1x16xf32>,
      %get3A_373 = vector.shape_cast %get3A_372 : vector<1x1x1x16xf32> to vector<16xf32>
      %sub3A_374 = arith.subf %get3A_341, %get3A_365 : vector<16xf32>
      %sub3A_375 = arith.subf %get3A_365, %get3A_317 : vector<16xf32>
      %sub3A_376 = arith.subf %get3A_317, %get3A_341 : vector<16xf32>
      %sub3A_377 = arith.subf %get3A_357, %get3A_333 : vector<16xf32>
      %sub3A_378 = arith.subf %get3A_309, %get3A_357 : vector<16xf32>
      %sub3A_379 = arith.subf %get3A_333, %get3A_309 : vector<16xf32>
      %mul3A_380 = arith.mulf %sub3A_379, %sub3A_375 : vector<16xf32>
      %mul3A_381 = arith.mulf %sub3A_378, %sub3A_376 : vector<16xf32>
      %sub3A_382 = arith.subf %mul3A_380, %mul3A_381 : vector<16xf32>
      %abs3A = math.absf %sub3A_382 : vector<16xf32>
      %div3A = arith.divf %broadcast_in_dim3A_12, %abs3A : vector<16xf32>
      %eq3A = arith.cmpf oeq, %sub3A_382, %broadcast_in_dim3A_10 : vector<16xf32>
      %select_n3A = arith.select %eq3A, %broadcast_in_dim3A_8, %div3A : vector<16xi1>, vector<16xf32>
      %mul3A_383 = arith.mulf %sub3A_374, %get3A_325 : vector<16xf32>
      %mul3A_384 = arith.mulf %sub3A_375, %get3A_349 : vector<16xf32>
      %add3A_385 = arith.addf %mul3A_383, %mul3A_384 : vector<16xf32>
      %mul3A_386 = arith.mulf %sub3A_376, %get3A_373 : vector<16xf32>
      %add3A_387 = arith.addf %add3A_385, %mul3A_386 : vector<16xf32>
      %mul3A_388 = arith.mulf %add3A_387, %select_n3A : vector<16xf32>
      %mul3A_389 = arith.mulf %sub3A_377, %get3A_325 : vector<16xf32>
      %mul3A_390 = arith.mulf %sub3A_378, %get3A_349 : vector<16xf32>
      %add3A_391 = arith.addf %mul3A_389, %mul3A_390 : vector<16xf32>
      %mul3A_392 = arith.mulf %sub3A_379, %get3A_373 : vector<16xf32>
      %add3A_393 = arith.addf %add3A_391, %mul3A_392 : vector<16xf32>
      %mul3A_394 = arith.mulf %add3A_393, %select_n3A : vector<16xf32>
      %mul3A_395 = arith.mulf %sub3A_374, %mul3A_388 : vector<16xf32>
      %mul3A_396 = arith.mulf %sub3A_377, %mul3A_394 : vector<16xf32>
      %add3A_397 = arith.addf %mul3A_395, %mul3A_396 : vector<16xf32>
      %neg3A = arith.constant 0.000000e+00 : f32
      %neg3A_398 = vector.broadcast %neg3A : f32 to vector<16xf32>
      %neg3A_399 = arith.subf %neg3A_398, %add3A_397 : vector<16xf32>
      %mul3A_400 = arith.mulf %sub3A_375, %mul3A_388 : vector<16xf32>
      %mul3A_401 = arith.mulf %sub3A_378, %mul3A_394 : vector<16xf32>
      %add3A_402 = arith.addf %mul3A_400, %mul3A_401 : vector<16xf32>
      %neg3A_403 = arith.constant 0.000000e+00 : f32
      %neg3A_404 = vector.broadcast %neg3A_403 : f32 to vector<16xf32>
      %neg3A_405 = arith.subf %neg3A_404, %add3A_402 : vector<16xf32>
      %mul3A_406 = arith.mulf %sub3A_376, %mul3A_388 : vector<16xf32>
      %mul3A_407 = arith.mulf %sub3A_379, %mul3A_394 : vector<16xf32>
      %add3A_408 = arith.addf %mul3A_406, %mul3A_407 : vector<16xf32>
      %neg3A_409 = arith.constant 0.000000e+00 : f32
      %neg3A_410 = vector.broadcast %neg3A_409 : f32 to vector<16xf32>
      %neg3A_411 = arith.subf %neg3A_410, %add3A_408 : vector<16xf32>
      %add3A_412 = arith.constant 0 : i32
      %add3A_413 = vector.broadcast %add3A_412 : i32 to vector<16xi32>
      %add3A_414 = arith.addi %iota3A, %add3A_413 : vector<16xi32>
      %mul3A_415 = arith.constant 128 : i32
      %mul3A_416 = arith.muli %scan3A_187, %mul3A_415 : i32
      %add3A_417 = arith.addi %mul3A_14, %mul3A_416 : i32
      %add3A_418 = vector.broadcast %add3A_417 : i32 to vector<16xi32>
      %add3A_419 = arith.addi %add3A_418, %add3A_414 : vector<16xi32>
      %lt3A = arith.constant 200000 : i32
      %lt3A_420 = vector.broadcast %lt3A : i32 to vector<16xi32>
      %lt3A_421 = arith.cmpi slt, %add3A_419, %lt3A_420 : vector<16xi32>
      %select_n3A_422 = arith.select %lt3A_421, %neg3A_399, %broadcast_in_dim3A_10 : vector<16xi1>, vector<16xf32>
      %select_n3A_423 = arith.select %lt3A_421, %neg3A_405, %broadcast_in_dim3A_10 : vector<16xi1>, vector<16xf32>
      %select_n3A_424 = arith.select %lt3A_421, %neg3A_411, %broadcast_in_dim3A_10 : vector<16xi1>, vector<16xf32>
      %swap3A = arith.constant 0 : i32
      %swap3A_425 = arith.index_cast %rem3A_188 : i32 to index
      %swap3A_426 = arith.index_cast %swap3A : i32 to index
      %swap3A_427 = arith.constant 0 : index
      %swap3A_428 = tpu.vector_load %arg16[%swap3A_425, %swap3A_426, %swap3A_427] {strides = array<i32>} : memref<2x3x128xf32, #tpu.memory_space<vmem>>, vector<1x1x16xf32>,
      %swap3A_429 = vector.shape_cast %swap3A_428 : vector<1x1x16xf32> to vector<16xf32>
      %swap3A_430 = vector.shape_cast %select_n3A_422 : vector<16xf32> to vector<1x1x16xf32>
      tpu.vector_store %arg16[%swap3A_425, %swap3A_426, %swap3A_427], %swap3A_430 {strides = array<i32>} : memref<2x3x128xf32, #tpu.memory_space<vmem>>, vector<1x1x16xf32>,
      %swap3A_431 = arith.constant 1 : i32
      %swap3A_432 = arith.index_cast %rem3A_188 : i32 to index
      %swap3A_433 = arith.index_cast %swap3A_431 : i32 to index
      %swap3A_434 = arith.constant 0 : index
      %swap3A_435 = tpu.vector_load %arg16[%swap3A_432, %swap3A_433, %swap3A_434] {strides = array<i32>} : memref<2x3x128xf32, #tpu.memory_space<vmem>>, vector<1x1x16xf32>,
      %swap3A_436 = vector.shape_cast %swap3A_435 : vector<1x1x16xf32> to vector<16xf32>
      %swap3A_437 = vector.shape_cast %select_n3A_423 : vector<16xf32> to vector<1x1x16xf32>
      tpu.vector_store %arg16[%swap3A_432, %swap3A_433, %swap3A_434], %swap3A_437 {strides = array<i32>} : memref<2x3x128xf32, #tpu.memory_space<vmem>>, vector<1x1x16xf32>,
      %swap3A_438 = arith.constant 2 : i32
      %swap3A_439 = arith.index_cast %rem3A_188 : i32 to index
      %swap3A_440 = arith.index_cast %swap3A_438 : i32 to index
      %swap3A_441 = arith.constant 0 : index
      %swap3A_442 = tpu.vector_load %arg16[%swap3A_439, %swap3A_440, %swap3A_441] {strides = array<i32>} : memref<2x3x128xf32, #tpu.memory_space<vmem>>, vector<1x1x16xf32>,
      %swap3A_443 = vector.shape_cast %swap3A_442 : vector<1x1x16xf32> to vector<16xf32>
      %swap3A_444 = vector.shape_cast %select_n3A_424 : vector<16xf32> to vector<1x1x16xf32>
      tpu.vector_store %arg16[%swap3A_439, %swap3A_440, %swap3A_441], %swap3A_444 {strides = array<i32>} : memref<2x3x128xf32, #tpu.memory_space<vmem>>, vector<1x1x16xf32>,
      %get3A_445 = arith.constant 0 : i32
      %get3A_446 = arith.constant 0 : i32
      %get3A_447 = arith.index_cast %rem3A_188 : i32 to index
      %get3A_448 = arith.index_cast %get3A_445 : i32 to index
      %get3A_449 = arith.index_cast %get3A_446 : i32 to index
      %get3A_450 = arith.constant 16 : index
      %get3A_451 = tpu.vector_load %arg10[%get3A_447, %get3A_448, %get3A_449, %get3A_450] {strides = array<i32>} : memref<2x3x3x128xf32, #tpu.memory_space<vmem>>, vector<1x1x1x16xf32>,
      %get3A_452 = vector.shape_cast %get3A_451 : vector<1x1x1x16xf32> to vector<16xf32>
      %get3A_453 = arith.constant 0 : i32
      %get3A_454 = arith.constant 1 : i32
      %get3A_455 = arith.index_cast %rem3A_188 : i32 to index
      %get3A_456 = arith.index_cast %get3A_453 : i32 to index
      %get3A_457 = arith.index_cast %get3A_454 : i32 to index
      %get3A_458 = arith.constant 16 : index
      %get3A_459 = tpu.vector_load %arg10[%get3A_455, %get3A_456, %get3A_457, %get3A_458] {strides = array<i32>} : memref<2x3x3x128xf32, #tpu.memory_space<vmem>>, vector<1x1x1x16xf32>,
      %get3A_460 = vector.shape_cast %get3A_459 : vector<1x1x1x16xf32> to vector<16xf32>
      %get3A_461 = arith.constant 0 : i32
      %get3A_462 = arith.constant 2 : i32
      %get3A_463 = arith.index_cast %rem3A_188 : i32 to index
      %get3A_464 = arith.index_cast %get3A_461 : i32 to index
      %get3A_465 = arith.index_cast %get3A_462 : i32 to index
      %get3A_466 = arith.constant 16 : index
      %get3A_467 = tpu.vector_load %arg10[%get3A_463, %get3A_464, %get3A_465, %get3A_466] {strides = array<i32>} : memref<2x3x3x128xf32, #tpu.memory_space<vmem>>, vector<1x1x1x16xf32>,
      %get3A_468 = vector.shape_cast %get3A_467 : vector<1x1x1x16xf32> to vector<16xf32>
      %get3A_469 = arith.constant 1 : i32
      %get3A_470 = arith.constant 0 : i32
      %get3A_471 = arith.index_cast %rem3A_188 : i32 to index
      %get3A_472 = arith.index_cast %get3A_469 : i32 to index
      %get3A_473 = arith.index_cast %get3A_470 : i32 to index
      %get3A_474 = arith.constant 16 : index
      %get3A_475 = tpu.vector_load %arg10[%get3A_471, %get3A_472, %get3A_473, %get3A_474] {strides = array<i32>} : memref<2x3x3x128xf32, #tpu.memory_space<vmem>>, vector<1x1x1x16xf32>,
      %get3A_476 = vector.shape_cast %get3A_475 : vector<1x1x1x16xf32> to vector<16xf32>
      %get3A_477 = arith.constant 1 : i32
      %get3A_478 = arith.constant 1 : i32
      %get3A_479 = arith.index_cast %rem3A_188 : i32 to index
      %get3A_480 = arith.index_cast %get3A_477 : i32 to index
      %get3A_481 = arith.index_cast %get3A_478 : i32 to index
      %get3A_482 = arith.constant 16 : index
      %get3A_483 = tpu.vector_load %arg10[%get3A_479, %get3A_480, %get3A_481, %get3A_482] {strides = array<i32>} : memref<2x3x3x128xf32, #tpu.memory_space<vmem>>, vector<1x1x1x16xf32>,
      %get3A_484 = vector.shape_cast %get3A_483 : vector<1x1x1x16xf32> to vector<16xf32>
      %get3A_485 = arith.constant 1 : i32
      %get3A_486 = arith.constant 2 : i32
      %get3A_487 = arith.index_cast %rem3A_188 : i32 to index
      %get3A_488 = arith.index_cast %get3A_485 : i32 to index
      %get3A_489 = arith.index_cast %get3A_486 : i32 to index
      %get3A_490 = arith.constant 16 : index
      %get3A_491 = tpu.vector_load %arg10[%get3A_487, %get3A_488, %get3A_489, %get3A_490] {strides = array<i32>} : memref<2x3x3x128xf32, #tpu.memory_space<vmem>>, vector<1x1x1x16xf32>,
      %get3A_492 = vector.shape_cast %get3A_491 : vector<1x1x1x16xf32> to vector<16xf32>
      %get3A_493 = arith.constant 2 : i32
      %get3A_494 = arith.constant 0 : i32
      %get3A_495 = arith.index_cast %rem3A_188 : i32 to index
      %get3A_496 = arith.index_cast %get3A_493 : i32 to index
      %get3A_497 = arith.index_cast %get3A_494 : i32 to index
      %get3A_498 = arith.constant 16 : index
      %get3A_499 = tpu.vector_load %arg10[%get3A_495, %get3A_496, %get3A_497, %get3A_498] {strides = array<i32>} : memref<2x3x3x128xf32, #tpu.memory_space<vmem>>, vector<1x1x1x16xf32>,
      %get3A_500 = vector.shape_cast %get3A_499 : vector<1x1x1x16xf32> to vector<16xf32>
      %get3A_501 = arith.constant 2 : i32
      %get3A_502 = arith.constant 1 : i32
      %get3A_503 = arith.index_cast %rem3A_188 : i32 to index
      %get3A_504 = arith.index_cast %get3A_501 : i32 to index
      %get3A_505 = arith.index_cast %get3A_502 : i32 to index
      %get3A_506 = arith.constant 16 : index
      %get3A_507 = tpu.vector_load %arg10[%get3A_503, %get3A_504, %get3A_505, %get3A_506] {strides = array<i32>} : memref<2x3x3x128xf32, #tpu.memory_space<vmem>>, vector<1x1x1x16xf32>,
      %get3A_508 = vector.shape_cast %get3A_507 : vector<1x1x1x16xf32> to vector<16xf32>
      %get3A_509 = arith.constant 2 : i32
      %get3A_510 = arith.constant 2 : i32
      %get3A_511 = arith.index_cast %rem3A_188 : i32 to index
      %get3A_512 = arith.index_cast %get3A_509 : i32 to index
      %get3A_513 = arith.index_cast %get3A_510 : i32 to index
      %get3A_514 = arith.constant 16 : index
      %get3A_515 = tpu.vector_load %arg10[%get3A_511, %get3A_512, %get3A_513, %get3A_514] {strides = array<i32>} : memref<2x3x3x128xf32, #tpu.memory_space<vmem>>, vector<1x1x1x16xf32>,
      %get3A_516 = vector.shape_cast %get3A_515 : vector<1x1x1x16xf32> to vector<16xf32>
      %sub3A_517 = arith.subf %get3A_484, %get3A_508 : vector<16xf32>
      %sub3A_518 = arith.subf %get3A_508, %get3A_460 : vector<16xf32>
      %sub3A_519 = arith.subf %get3A_460, %get3A_484 : vector<16xf32>
      %sub3A_520 = arith.subf %get3A_500, %get3A_476 : vector<16xf32>
      %sub3A_521 = arith.subf %get3A_452, %get3A_500 : vector<16xf32>
      %sub3A_522 = arith.subf %get3A_476, %get3A_452 : vector<16xf32>
      %mul3A_523 = arith.mulf %sub3A_522, %sub3A_518 : vector<16xf32>
      %mul3A_524 = arith.mulf %sub3A_521, %sub3A_519 : vector<16xf32>
      %sub3A_525 = arith.subf %mul3A_523, %mul3A_524 : vector<16xf32>
      %abs3A_526 = math.absf %sub3A_525 : vector<16xf32>
      %div3A_527 = arith.divf %broadcast_in_dim3A_12, %abs3A_526 : vector<16xf32>
      %eq3A_528 = arith.cmpf oeq, %sub3A_525, %broadcast_in_dim3A_10 : vector<16xf32>
      %select_n3A_529 = arith.select %eq3A_528, %broadcast_in_dim3A_8, %div3A_527 : vector<16xi1>, vector<16xf32>
      %mul3A_530 = arith.mulf %sub3A_517, %get3A_468 : vector<16xf32>
      %mul3A_531 = arith.mulf %sub3A_518, %get3A_492 : vector<16xf32>
      %add3A_532 = arith.addf %mul3A_530, %mul3A_531 : vector<16xf32>
      %mul3A_533 = arith.mulf %sub3A_519, %get3A_516 : vector<16xf32>
      %add3A_534 = arith.addf %add3A_532, %mul3A_533 : vector<16xf32>
      %mul3A_535 = arith.mulf %add3A_534, %select_n3A_529 : vector<16xf32>
      %mul3A_536 = arith.mulf %sub3A_520, %get3A_468 : vector<16xf32>
      %mul3A_537 = arith.mulf %sub3A_521, %get3A_492 : vector<16xf32>
      %add3A_538 = arith.addf %mul3A_536, %mul3A_537 : vector<16xf32>
      %mul3A_539 = arith.mulf %sub3A_522, %get3A_516 : vector<16xf32>
      %add3A_540 = arith.addf %add3A_538, %mul3A_539 : vector<16xf32>
      %mul3A_541 = arith.mulf %add3A_540, %select_n3A_529 : vector<16xf32>
      %mul3A_542 = arith.mulf %sub3A_517, %mul3A_535 : vector<16xf32>
      %mul3A_543 = arith.mulf %sub3A_520, %mul3A_541 : vector<16xf32>
      %add3A_544 = arith.addf %mul3A_542, %mul3A_543 : vector<16xf32>
      %neg3A_545 = arith.constant 0.000000e+00 : f32
      %neg3A_546 = vector.broadcast %neg3A_545 : f32 to vector<16xf32>
      %neg3A_547 = arith.subf %neg3A_546, %add3A_544 : vector<16xf32>
      %mul3A_548 = arith.mulf %sub3A_518, %mul3A_535 : vector<16xf32>
      %mul3A_549 = arith.mulf %sub3A_521, %mul3A_541 : vector<16xf32>
      %add3A_550 = arith.addf %mul3A_548, %mul3A_549 : vector<16xf32>
      %neg3A_551 = arith.constant 0.000000e+00 : f32
      %neg3A_552 = vector.broadcast %neg3A_551 : f32 to vector<16xf32>
      %neg3A_553 = arith.subf %neg3A_552, %add3A_550 : vector<16xf32>
      %mul3A_554 = arith.mulf %sub3A_519, %mul3A_535 : vector<16xf32>
      %mul3A_555 = arith.mulf %sub3A_522, %mul3A_541 : vector<16xf32>
      %add3A_556 = arith.addf %mul3A_554, %mul3A_555 : vector<16xf32>
      %neg3A_557 = arith.constant 0.000000e+00 : f32
      %neg3A_558 = vector.broadcast %neg3A_557 : f32 to vector<16xf32>
      %neg3A_559 = arith.subf %neg3A_558, %add3A_556 : vector<16xf32>
      %add3A_560 = arith.constant 16 : i32
      %add3A_561 = vector.broadcast %add3A_560 : i32 to vector<16xi32>
      %add3A_562 = arith.addi %iota3A, %add3A_561 : vector<16xi32>
      %mul3A_563 = arith.constant 128 : i32
      %mul3A_564 = arith.muli %scan3A_187, %mul3A_563 : i32
      %add3A_565 = arith.addi %mul3A_14, %mul3A_564 : i32
      %add3A_566 = vector.broadcast %add3A_565 : i32 to vector<16xi32>
      %add3A_567 = arith.addi %add3A_566, %add3A_562 : vector<16xi32>
      %lt3A_568 = arith.constant 200000 : i32
      %lt3A_569 = vector.broadcast %lt3A_568 : i32 to vector<16xi32>
      %lt3A_570 = arith.cmpi slt, %add3A_567, %lt3A_569 : vector<16xi32>
      %select_n3A_571 = arith.select %lt3A_570, %neg3A_547, %broadcast_in_dim3A_10 : vector<16xi1>, vector<16xf32>
      %select_n3A_572 = arith.select %lt3A_570, %neg3A_553, %broadcast_in_dim3A_10 : vector<16xi1>, vector<16xf32>
      %select_n3A_573 = arith.select %lt3A_570, %neg3A_559, %broadcast_in_dim3A_10 : vector<16xi1>, vector<16xf32>
      %swap3A_574 = arith.constant 0 : i32
      %swap3A_575 = arith.index_cast %rem3A_188 : i32 to index
      %swap3A_576 = arith.index_cast %swap3A_574 : i32 to index
      %swap3A_577 = arith.constant 16 : index
      %swap3A_578 = tpu.vector_load %arg16[%swap3A_575, %swap3A_576, %swap3A_577] {strides = array<i32>} : memref<2x3x128xf32, #tpu.memory_space<vmem>>, vector<1x1x16xf32>,
      %swap3A_579 = vector.shape_cast %swap3A_578 : vector<1x1x16xf32> to vector<16xf32>
      %swap3A_580 = vector.shape_cast %select_n3A_571 : vector<16xf32> to vector<1x1x16xf32>
      tpu.vector_store %arg16[%swap3A_575, %swap3A_576, %swap3A_577], %swap3A_580 {strides = array<i32>} : memref<2x3x128xf32, #tpu.memory_space<vmem>>, vector<1x1x16xf32>,
      %swap3A_581 = arith.constant 1 : i32
      %swap3A_582 = arith.index_cast %rem3A_188 : i32 to index
      %swap3A_583 = arith.index_cast %swap3A_581 : i32 to index
      %swap3A_584 = arith.constant 16 : index
      %swap3A_585 = tpu.vector_load %arg16[%swap3A_582, %swap3A_583, %swap3A_584] {strides = array<i32>} : memref<2x3x128xf32, #tpu.memory_space<vmem>>, vector<1x1x16xf32>,
      %swap3A_586 = vector.shape_cast %swap3A_585 : vector<1x1x16xf32> to vector<16xf32>
      %swap3A_587 = vector.shape_cast %select_n3A_572 : vector<16xf32> to vector<1x1x16xf32>
      tpu.vector_store %arg16[%swap3A_582, %swap3A_583, %swap3A_584], %swap3A_587 {strides = array<i32>} : memref<2x3x128xf32, #tpu.memory_space<vmem>>, vector<1x1x16xf32>,
      %swap3A_588 = arith.constant 2 : i32
      %swap3A_589 = arith.index_cast %rem3A_188 : i32 to index
      %swap3A_590 = arith.index_cast %swap3A_588 : i32 to index
      %swap3A_591 = arith.constant 16 : index
      %swap3A_592 = tpu.vector_load %arg16[%swap3A_589, %swap3A_590, %swap3A_591] {strides = array<i32>} : memref<2x3x128xf32, #tpu.memory_space<vmem>>, vector<1x1x16xf32>,
      %swap3A_593 = vector.shape_cast %swap3A_592 : vector<1x1x16xf32> to vector<16xf32>
      %swap3A_594 = vector.shape_cast %select_n3A_573 : vector<16xf32> to vector<1x1x16xf32>
      tpu.vector_store %arg16[%swap3A_589, %swap3A_590, %swap3A_591], %swap3A_594 {strides = array<i32>} : memref<2x3x128xf32, #tpu.memory_space<vmem>>, vector<1x1x16xf32>,
      %get3A_595 = arith.constant 0 : i32
      %get3A_596 = arith.constant 0 : i32
      %get3A_597 = arith.index_cast %rem3A_188 : i32 to index
      %get3A_598 = arith.index_cast %get3A_595 : i32 to index
      %get3A_599 = arith.index_cast %get3A_596 : i32 to index
      %get3A_600 = arith.constant 32 : index
      %get3A_601 = tpu.vector_load %arg10[%get3A_597, %get3A_598, %get3A_599, %get3A_600] {strides = array<i32>} : memref<2x3x3x128xf32, #tpu.memory_space<vmem>>, vector<1x1x1x16xf32>,
      %get3A_602 = vector.shape_cast %get3A_601 : vector<1x1x1x16xf32> to vector<16xf32>
      %get3A_603 = arith.constant 0 : i32
      %get3A_604 = arith.constant 1 : i32
      %get3A_605 = arith.index_cast %rem3A_188 : i32 to index
      %get3A_606 = arith.index_cast %get3A_603 : i32 to index
      %get3A_607 = arith.index_cast %get3A_604 : i32 to index
      %get3A_608 = arith.constant 32 : index
      %get3A_609 = tpu.vector_load %arg10[%get3A_605, %get3A_606, %get3A_607, %get3A_608] {strides = array<i32>} : memref<2x3x3x128xf32, #tpu.memory_space<vmem>>, vector<1x1x1x16xf32>,
      %get3A_610 = vector.shape_cast %get3A_609 : vector<1x1x1x16xf32> to vector<16xf32>
      %get3A_611 = arith.constant 0 : i32
      %get3A_612 = arith.constant 2 : i32
      %get3A_613 = arith.index_cast %rem3A_188 : i32 to index
      %get3A_614 = arith.index_cast %get3A_611 : i32 to index
      %get3A_615 = arith.index_cast %get3A_612 : i32 to index
      %get3A_616 = arith.constant 32 : index
      %get3A_617 = tpu.vector_load %arg10[%get3A_613, %get3A_614, %get3A_615, %get3A_616] {strides = array<i32>} : memref<2x3x3x128xf32, #tpu.memory_space<vmem>>, vector<1x1x1x16xf32>,
      %get3A_618 = vector.shape_cast %get3A_617 : vector<1x1x1x16xf32> to vector<16xf32>
      %get3A_619 = arith.constant 1 : i32
      %get3A_620 = arith.constant 0 : i32
      %get3A_621 = arith.index_cast %rem3A_188 : i32 to index
      %get3A_622 = arith.index_cast %get3A_619 : i32 to index
      %get3A_623 = arith.index_cast %get3A_620 : i32 to index
      %get3A_624 = arith.constant 32 : index
      %get3A_625 = tpu.vector_load %arg10[%get3A_621, %get3A_622, %get3A_623, %get3A_624] {strides = array<i32>} : memref<2x3x3x128xf32, #tpu.memory_space<vmem>>, vector<1x1x1x16xf32>,
      %get3A_626 = vector.shape_cast %get3A_625 : vector<1x1x1x16xf32> to vector<16xf32>
      %get3A_627 = arith.constant 1 : i32
      %get3A_628 = arith.constant 1 : i32
      %get3A_629 = arith.index_cast %rem3A_188 : i32 to index
      %get3A_630 = arith.index_cast %get3A_627 : i32 to index
      %get3A_631 = arith.index_cast %get3A_628 : i32 to index
      %get3A_632 = arith.constant 32 : index
      %get3A_633 = tpu.vector_load %arg10[%get3A_629, %get3A_630, %get3A_631, %get3A_632] {strides = array<i32>} : memref<2x3x3x128xf32, #tpu.memory_space<vmem>>, vector<1x1x1x16xf32>,
      %get3A_634 = vector.shape_cast %get3A_633 : vector<1x1x1x16xf32> to vector<16xf32>
      %get3A_635 = arith.constant 1 : i32
      %get3A_636 = arith.constant 2 : i32
      %get3A_637 = arith.index_cast %rem3A_188 : i32 to index
      %get3A_638 = arith.index_cast %get3A_635 : i32 to index
      %get3A_639 = arith.index_cast %get3A_636 : i32 to index
      %get3A_640 = arith.constant 32 : index
      %get3A_641 = tpu.vector_load %arg10[%get3A_637, %get3A_638, %get3A_639, %get3A_640] {strides = array<i32>} : memref<2x3x3x128xf32, #tpu.memory_space<vmem>>, vector<1x1x1x16xf32>,
      %get3A_642 = vector.shape_cast %get3A_641 : vector<1x1x1x16xf32> to vector<16xf32>
      %get3A_643 = arith.constant 2 : i32
      %get3A_644 = arith.constant 0 : i32
      %get3A_645 = arith.index_cast %rem3A_188 : i32 to index
      %get3A_646 = arith.index_cast %get3A_643 : i32 to index
      %get3A_647 = arith.index_cast %get3A_644 : i32 to index
      %get3A_648 = arith.constant 32 : index
      %get3A_649 = tpu.vector_load %arg10[%get3A_645, %get3A_646, %get3A_647, %get3A_648] {strides = array<i32>} : memref<2x3x3x128xf32, #tpu.memory_space<vmem>>, vector<1x1x1x16xf32>,
      %get3A_650 = vector.shape_cast %get3A_649 : vector<1x1x1x16xf32> to vector<16xf32>
      %get3A_651 = arith.constant 2 : i32
      %get3A_652 = arith.constant 1 : i32
      %get3A_653 = arith.index_cast %rem3A_188 : i32 to index
      %get3A_654 = arith.index_cast %get3A_651 : i32 to index
      %get3A_655 = arith.index_cast %get3A_652 : i32 to index
      %get3A_656 = arith.constant 32 : index
      %get3A_657 = tpu.vector_load %arg10[%get3A_653, %get3A_654, %get3A_655, %get3A_656] {strides = array<i32>} : memref<2x3x3x128xf32, #tpu.memory_space<vmem>>, vector<1x1x1x16xf32>,
      %get3A_658 = vector.shape_cast %get3A_657 : vector<1x1x1x16xf32> to vector<16xf32>
      %get3A_659 = arith.constant 2 : i32
      %get3A_660 = arith.constant 2 : i32
      %get3A_661 = arith.index_cast %rem3A_188 : i32 to index
      %get3A_662 = arith.index_cast %get3A_659 : i32 to index
      %get3A_663 = arith.index_cast %get3A_660 : i32 to index
      %get3A_664 = arith.constant 32 : index
      %get3A_665 = tpu.vector_load %arg10[%get3A_661, %get3A_662, %get3A_663, %get3A_664] {strides = array<i32>} : memref<2x3x3x128xf32, #tpu.memory_space<vmem>>, vector<1x1x1x16xf32>,
      %get3A_666 = vector.shape_cast %get3A_665 : vector<1x1x1x16xf32> to vector<16xf32>
      %sub3A_667 = arith.subf %get3A_634, %get3A_658 : vector<16xf32>
      %sub3A_668 = arith.subf %get3A_658, %get3A_610 : vector<16xf32>
      %sub3A_669 = arith.subf %get3A_610, %get3A_634 : vector<16xf32>
      %sub3A_670 = arith.subf %get3A_650, %get3A_626 : vector<16xf32>
      %sub3A_671 = arith.subf %get3A_602, %get3A_650 : vector<16xf32>
      %sub3A_672 = arith.subf %get3A_626, %get3A_602 : vector<16xf32>
      %mul3A_673 = arith.mulf %sub3A_672, %sub3A_668 : vector<16xf32>
      %mul3A_674 = arith.mulf %sub3A_671, %sub3A_669 : vector<16xf32>
      %sub3A_675 = arith.subf %mul3A_673, %mul3A_674 : vector<16xf32>
      %abs3A_676 = math.absf %sub3A_675 : vector<16xf32>
      %div3A_677 = arith.divf %broadcast_in_dim3A_12, %abs3A_676 : vector<16xf32>
      %eq3A_678 = arith.cmpf oeq, %sub3A_675, %broadcast_in_dim3A_10 : vector<16xf32>
      %select_n3A_679 = arith.select %eq3A_678, %broadcast_in_dim3A_8, %div3A_677 : vector<16xi1>, vector<16xf32>
      %mul3A_680 = arith.mulf %sub3A_667, %get3A_618 : vector<16xf32>
      %mul3A_681 = arith.mulf %sub3A_668, %get3A_642 : vector<16xf32>
      %add3A_682 = arith.addf %mul3A_680, %mul3A_681 : vector<16xf32>
      %mul3A_683 = arith.mulf %sub3A_669, %get3A_666 : vector<16xf32>
      %add3A_684 = arith.addf %add3A_682, %mul3A_683 : vector<16xf32>
      %mul3A_685 = arith.mulf %add3A_684, %select_n3A_679 : vector<16xf32>
      %mul3A_686 = arith.mulf %sub3A_670, %get3A_618 : vector<16xf32>
      %mul3A_687 = arith.mulf %sub3A_671, %get3A_642 : vector<16xf32>
      %add3A_688 = arith.addf %mul3A_686, %mul3A_687 : vector<16xf32>
      %mul3A_689 = arith.mulf %sub3A_672, %get3A_666 : vector<16xf32>
      %add3A_690 = arith.addf %add3A_688, %mul3A_689 : vector<16xf32>
      %mul3A_691 = arith.mulf %add3A_690, %select_n3A_679 : vector<16xf32>
      %mul3A_692 = arith.mulf %sub3A_667, %mul3A_685 : vector<16xf32>
      %mul3A_693 = arith.mulf %sub3A_670, %mul3A_691 : vector<16xf32>
      %add3A_694 = arith.addf %mul3A_692, %mul3A_693 : vector<16xf32>
      %neg3A_695 = arith.constant 0.000000e+00 : f32
      %neg3A_696 = vector.broadcast %neg3A_695 : f32 to vector<16xf32>
      %neg3A_697 = arith.subf %neg3A_696, %add3A_694 : vector<16xf32>
      %mul3A_698 = arith.mulf %sub3A_668, %mul3A_685 : vector<16xf32>
      %mul3A_699 = arith.mulf %sub3A_671, %mul3A_691 : vector<16xf32>
      %add3A_700 = arith.addf %mul3A_698, %mul3A_699 : vector<16xf32>
      %neg3A_701 = arith.constant 0.000000e+00 : f32
      %neg3A_702 = vector.broadcast %neg3A_701 : f32 to vector<16xf32>
      %neg3A_703 = arith.subf %neg3A_702, %add3A_700 : vector<16xf32>
      %mul3A_704 = arith.mulf %sub3A_669, %mul3A_685 : vector<16xf32>
      %mul3A_705 = arith.mulf %sub3A_672, %mul3A_691 : vector<16xf32>
      %add3A_706 = arith.addf %mul3A_704, %mul3A_705 : vector<16xf32>
      %neg3A_707 = arith.constant 0.000000e+00 : f32
      %neg3A_708 = vector.broadcast %neg3A_707 : f32 to vector<16xf32>
      %neg3A_709 = arith.subf %neg3A_708, %add3A_706 : vector<16xf32>
      %add3A_710 = arith.constant 32 : i32
      %add3A_711 = vector.broadcast %add3A_710 : i32 to vector<16xi32>
      %add3A_712 = arith.addi %iota3A, %add3A_711 : vector<16xi32>
      %mul3A_713 = arith.constant 128 : i32
      %mul3A_714 = arith.muli %scan3A_187, %mul3A_713 : i32
      %add3A_715 = arith.addi %mul3A_14, %mul3A_714 : i32
      %add3A_716 = vector.broadcast %add3A_715 : i32 to vector<16xi32>
      %add3A_717 = arith.addi %add3A_716, %add3A_712 : vector<16xi32>
      %lt3A_718 = arith.constant 200000 : i32
      %lt3A_719 = vector.broadcast %lt3A_718 : i32 to vector<16xi32>
      %lt3A_720 = arith.cmpi slt, %add3A_717, %lt3A_719 : vector<16xi32>
      %select_n3A_721 = arith.select %lt3A_720, %neg3A_697, %broadcast_in_dim3A_10 : vector<16xi1>, vector<16xf32>
      %select_n3A_722 = arith.select %lt3A_720, %neg3A_703, %broadcast_in_dim3A_10 : vector<16xi1>, vector<16xf32>
      %select_n3A_723 = arith.select %lt3A_720, %neg3A_709, %broadcast_in_dim3A_10 : vector<16xi1>, vector<16xf32>
      %swap3A_724 = arith.constant 0 : i32
      %swap3A_725 = arith.index_cast %rem3A_188 : i32 to index
      %swap3A_726 = arith.index_cast %swap3A_724 : i32 to index
      %swap3A_727 = arith.constant 32 : index
      %swap3A_728 = tpu.vector_load %arg16[%swap3A_725, %swap3A_726, %swap3A_727] {strides = array<i32>} : memref<2x3x128xf32, #tpu.memory_space<vmem>>, vector<1x1x16xf32>,
      %swap3A_729 = vector.shape_cast %swap3A_728 : vector<1x1x16xf32> to vector<16xf32>
      %swap3A_730 = vector.shape_cast %select_n3A_721 : vector<16xf32> to vector<1x1x16xf32>
      tpu.vector_store %arg16[%swap3A_725, %swap3A_726, %swap3A_727], %swap3A_730 {strides = array<i32>} : memref<2x3x128xf32, #tpu.memory_space<vmem>>, vector<1x1x16xf32>,
      %swap3A_731 = arith.constant 1 : i32
      %swap3A_732 = arith.index_cast %rem3A_188 : i32 to index
      %swap3A_733 = arith.index_cast %swap3A_731 : i32 to index
      %swap3A_734 = arith.constant 32 : index
      %swap3A_735 = tpu.vector_load %arg16[%swap3A_732, %swap3A_733, %swap3A_734] {strides = array<i32>} : memref<2x3x128xf32, #tpu.memory_space<vmem>>, vector<1x1x16xf32>,
      %swap3A_736 = vector.shape_cast %swap3A_735 : vector<1x1x16xf32> to vector<16xf32>
      %swap3A_737 = vector.shape_cast %select_n3A_722 : vector<16xf32> to vector<1x1x16xf32>
      tpu.vector_store %arg16[%swap3A_732, %swap3A_733, %swap3A_734], %swap3A_737 {strides = array<i32>} : memref<2x3x128xf32, #tpu.memory_space<vmem>>, vector<1x1x16xf32>,
      %swap3A_738 = arith.constant 2 : i32
      %swap3A_739 = arith.index_cast %rem3A_188 : i32 to index
      %swap3A_740 = arith.index_cast %swap3A_738 : i32 to index
      %swap3A_741 = arith.constant 32 : index
      %swap3A_742 = tpu.vector_load %arg16[%swap3A_739, %swap3A_740, %swap3A_741] {strides = array<i32>} : memref<2x3x128xf32, #tpu.memory_space<vmem>>, vector<1x1x16xf32>,
      %swap3A_743 = vector.shape_cast %swap3A_742 : vector<1x1x16xf32> to vector<16xf32>
      %swap3A_744 = vector.shape_cast %select_n3A_723 : vector<16xf32> to vector<1x1x16xf32>
      tpu.vector_store %arg16[%swap3A_739, %swap3A_740, %swap3A_741], %swap3A_744 {strides = array<i32>} : memref<2x3x128xf32, #tpu.memory_space<vmem>>, vector<1x1x16xf32>,
      %get3A_745 = arith.constant 0 : i32
      %get3A_746 = arith.constant 0 : i32
      %get3A_747 = arith.index_cast %rem3A_188 : i32 to index
      %get3A_748 = arith.index_cast %get3A_745 : i32 to index
      %get3A_749 = arith.index_cast %get3A_746 : i32 to index
      %get3A_750 = arith.constant 48 : index
      %get3A_751 = tpu.vector_load %arg10[%get3A_747, %get3A_748, %get3A_749, %get3A_750] {strides = array<i32>} : memref<2x3x3x128xf32, #tpu.memory_space<vmem>>, vector<1x1x1x16xf32>,
      %get3A_752 = vector.shape_cast %get3A_751 : vector<1x1x1x16xf32> to vector<16xf32>
      %get3A_753 = arith.constant 0 : i32
      %get3A_754 = arith.constant 1 : i32
      %get3A_755 = arith.index_cast %rem3A_188 : i32 to index
      %get3A_756 = arith.index_cast %get3A_753 : i32 to index
      %get3A_757 = arith.index_cast %get3A_754 : i32 to index
      %get3A_758 = arith.constant 48 : index
      %get3A_759 = tpu.vector_load %arg10[%get3A_755, %get3A_756, %get3A_757, %get3A_758] {strides = array<i32>} : memref<2x3x3x128xf32, #tpu.memory_space<vmem>>, vector<1x1x1x16xf32>,
      %get3A_760 = vector.shape_cast %get3A_759 : vector<1x1x1x16xf32> to vector<16xf32>
      %get3A_761 = arith.constant 0 : i32
      %get3A_762 = arith.constant 2 : i32
      %get3A_763 = arith.index_cast %rem3A_188 : i32 to index
      %get3A_764 = arith.index_cast %get3A_761 : i32 to index
      %get3A_765 = arith.index_cast %get3A_762 : i32 to index
      %get3A_766 = arith.constant 48 : index
      %get3A_767 = tpu.vector_load %arg10[%get3A_763, %get3A_764, %get3A_765, %get3A_766] {strides = array<i32>} : memref<2x3x3x128xf32, #tpu.memory_space<vmem>>, vector<1x1x1x16xf32>,
      %get3A_768 = vector.shape_cast %get3A_767 : vector<1x1x1x16xf32> to vector<16xf32>
      %get3A_769 = arith.constant 1 : i32
      %get3A_770 = arith.constant 0 : i32
      %get3A_771 = arith.index_cast %rem3A_188 : i32 to index
      %get3A_772 = arith.index_cast %get3A_769 : i32 to index
      %get3A_773 = arith.index_cast %get3A_770 : i32 to index
      %get3A_774 = arith.constant 48 : index
      %get3A_775 = tpu.vector_load %arg10[%get3A_771, %get3A_772, %get3A_773, %get3A_774] {strides = array<i32>} : memref<2x3x3x128xf32, #tpu.memory_space<vmem>>, vector<1x1x1x16xf32>,
      %get3A_776 = vector.shape_cast %get3A_775 : vector<1x1x1x16xf32> to vector<16xf32>
      %get3A_777 = arith.constant 1 : i32
      %get3A_778 = arith.constant 1 : i32
      %get3A_779 = arith.index_cast %rem3A_188 : i32 to index
      %get3A_780 = arith.index_cast %get3A_777 : i32 to index
      %get3A_781 = arith.index_cast %get3A_778 : i32 to index
      %get3A_782 = arith.constant 48 : index
      %get3A_783 = tpu.vector_load %arg10[%get3A_779, %get3A_780, %get3A_781, %get3A_782] {strides = array<i32>} : memref<2x3x3x128xf32, #tpu.memory_space<vmem>>, vector<1x1x1x16xf32>,
      %get3A_784 = vector.shape_cast %get3A_783 : vector<1x1x1x16xf32> to vector<16xf32>
      %get3A_785 = arith.constant 1 : i32
      %get3A_786 = arith.constant 2 : i32
      %get3A_787 = arith.index_cast %rem3A_188 : i32 to index
      %get3A_788 = arith.index_cast %get3A_785 : i32 to index
      %get3A_789 = arith.index_cast %get3A_786 : i32 to index
      %get3A_790 = arith.constant 48 : index
      %get3A_791 = tpu.vector_load %arg10[%get3A_787, %get3A_788, %get3A_789, %get3A_790] {strides = array<i32>} : memref<2x3x3x128xf32, #tpu.memory_space<vmem>>, vector<1x1x1x16xf32>,
      %get3A_792 = vector.shape_cast %get3A_791 : vector<1x1x1x16xf32> to vector<16xf32>
      %get3A_793 = arith.constant 2 : i32
      %get3A_794 = arith.constant 0 : i32
      %get3A_795 = arith.index_cast %rem3A_188 : i32 to index
      %get3A_796 = arith.index_cast %get3A_793 : i32 to index
      %get3A_797 = arith.index_cast %get3A_794 : i32 to index
      %get3A_798 = arith.constant 48 : index
      %get3A_799 = tpu.vector_load %arg10[%get3A_795, %get3A_796, %get3A_797, %get3A_798] {strides = array<i32>} : memref<2x3x3x128xf32, #tpu.memory_space<vmem>>, vector<1x1x1x16xf32>,
      %get3A_800 = vector.shape_cast %get3A_799 : vector<1x1x1x16xf32> to vector<16xf32>
      %get3A_801 = arith.constant 2 : i32
      %get3A_802 = arith.constant 1 : i32
      %get3A_803 = arith.index_cast %rem3A_188 : i32 to index
      %get3A_804 = arith.index_cast %get3A_801 : i32 to index
      %get3A_805 = arith.index_cast %get3A_802 : i32 to index
      %get3A_806 = arith.constant 48 : index
      %get3A_807 = tpu.vector_load %arg10[%get3A_803, %get3A_804, %get3A_805, %get3A_806] {strides = array<i32>} : memref<2x3x3x128xf32, #tpu.memory_space<vmem>>, vector<1x1x1x16xf32>,
      %get3A_808 = vector.shape_cast %get3A_807 : vector<1x1x1x16xf32> to vector<16xf32>
      %get3A_809 = arith.constant 2 : i32
      %get3A_810 = arith.constant 2 : i32
      %get3A_811 = arith.index_cast %rem3A_188 : i32 to index
      %get3A_812 = arith.index_cast %get3A_809 : i32 to index
      %get3A_813 = arith.index_cast %get3A_810 : i32 to index
      %get3A_814 = arith.constant 48 : index
      %get3A_815 = tpu.vector_load %arg10[%get3A_811, %get3A_812, %get3A_813, %get3A_814] {strides = array<i32>} : memref<2x3x3x128xf32, #tpu.memory_space<vmem>>, vector<1x1x1x16xf32>,
      %get3A_816 = vector.shape_cast %get3A_815 : vector<1x1x1x16xf32> to vector<16xf32>
      %sub3A_817 = arith.subf %get3A_784, %get3A_808 : vector<16xf32>
      %sub3A_818 = arith.subf %get3A_808, %get3A_760 : vector<16xf32>
      %sub3A_819 = arith.subf %get3A_760, %get3A_784 : vector<16xf32>
      %sub3A_820 = arith.subf %get3A_800, %get3A_776 : vector<16xf32>
      %sub3A_821 = arith.subf %get3A_752, %get3A_800 : vector<16xf32>
      %sub3A_822 = arith.subf %get3A_776, %get3A_752 : vector<16xf32>
      %mul3A_823 = arith.mulf %sub3A_822, %sub3A_818 : vector<16xf32>
      %mul3A_824 = arith.mulf %sub3A_821, %sub3A_819 : vector<16xf32>
      %sub3A_825 = arith.subf %mul3A_823, %mul3A_824 : vector<16xf32>
      %abs3A_826 = math.absf %sub3A_825 : vector<16xf32>
      %div3A_827 = arith.divf %broadcast_in_dim3A_12, %abs3A_826 : vector<16xf32>
      %eq3A_828 = arith.cmpf oeq, %sub3A_825, %broadcast_in_dim3A_10 : vector<16xf32>
      %select_n3A_829 = arith.select %eq3A_828, %broadcast_in_dim3A_8, %div3A_827 : vector<16xi1>, vector<16xf32>
      %mul3A_830 = arith.mulf %sub3A_817, %get3A_768 : vector<16xf32>
      %mul3A_831 = arith.mulf %sub3A_818, %get3A_792 : vector<16xf32>
      %add3A_832 = arith.addf %mul3A_830, %mul3A_831 : vector<16xf32>
      %mul3A_833 = arith.mulf %sub3A_819, %get3A_816 : vector<16xf32>
      %add3A_834 = arith.addf %add3A_832, %mul3A_833 : vector<16xf32>
      %mul3A_835 = arith.mulf %add3A_834, %select_n3A_829 : vector<16xf32>
      %mul3A_836 = arith.mulf %sub3A_820, %get3A_768 : vector<16xf32>
      %mul3A_837 = arith.mulf %sub3A_821, %get3A_792 : vector<16xf32>
      %add3A_838 = arith.addf %mul3A_836, %mul3A_837 : vector<16xf32>
      %mul3A_839 = arith.mulf %sub3A_822, %get3A_816 : vector<16xf32>
      %add3A_840 = arith.addf %add3A_838, %mul3A_839 : vector<16xf32>
      %mul3A_841 = arith.mulf %add3A_840, %select_n3A_829 : vector<16xf32>
      %mul3A_842 = arith.mulf %sub3A_817, %mul3A_835 : vector<16xf32>
      %mul3A_843 = arith.mulf %sub3A_820, %mul3A_841 : vector<16xf32>
      %add3A_844 = arith.addf %mul3A_842, %mul3A_843 : vector<16xf32>
      %neg3A_845 = arith.constant 0.000000e+00 : f32
      %neg3A_846 = vector.broadcast %neg3A_845 : f32 to vector<16xf32>
      %neg3A_847 = arith.subf %neg3A_846, %add3A_844 : vector<16xf32>
      %mul3A_848 = arith.mulf %sub3A_818, %mul3A_835 : vector<16xf32>
      %mul3A_849 = arith.mulf %sub3A_821, %mul3A_841 : vector<16xf32>
      %add3A_850 = arith.addf %mul3A_848, %mul3A_849 : vector<16xf32>
      %neg3A_851 = arith.constant 0.000000e+00 : f32
      %neg3A_852 = vector.broadcast %neg3A_851 : f32 to vector<16xf32>
      %neg3A_853 = arith.subf %neg3A_852, %add3A_850 : vector<16xf32>
      %mul3A_854 = arith.mulf %sub3A_819, %mul3A_835 : vector<16xf32>
      %mul3A_855 = arith.mulf %sub3A_822, %mul3A_841 : vector<16xf32>
      %add3A_856 = arith.addf %mul3A_854, %mul3A_855 : vector<16xf32>
      %neg3A_857 = arith.constant 0.000000e+00 : f32
      %neg3A_858 = vector.broadcast %neg3A_857 : f32 to vector<16xf32>
      %neg3A_859 = arith.subf %neg3A_858, %add3A_856 : vector<16xf32>
      %add3A_860 = arith.constant 48 : i32
      %add3A_861 = vector.broadcast %add3A_860 : i32 to vector<16xi32>
      %add3A_862 = arith.addi %iota3A, %add3A_861 : vector<16xi32>
      %mul3A_863 = arith.constant 128 : i32
      %mul3A_864 = arith.muli %scan3A_187, %mul3A_863 : i32
      %add3A_865 = arith.addi %mul3A_14, %mul3A_864 : i32
      %add3A_866 = vector.broadcast %add3A_865 : i32 to vector<16xi32>
      %add3A_867 = arith.addi %add3A_866, %add3A_862 : vector<16xi32>
      %lt3A_868 = arith.constant 200000 : i32
      %lt3A_869 = vector.broadcast %lt3A_868 : i32 to vector<16xi32>
      %lt3A_870 = arith.cmpi slt, %add3A_867, %lt3A_869 : vector<16xi32>
      %select_n3A_871 = arith.select %lt3A_870, %neg3A_847, %broadcast_in_dim3A_10 : vector<16xi1>, vector<16xf32>
      %select_n3A_872 = arith.select %lt3A_870, %neg3A_853, %broadcast_in_dim3A_10 : vector<16xi1>, vector<16xf32>
      %select_n3A_873 = arith.select %lt3A_870, %neg3A_859, %broadcast_in_dim3A_10 : vector<16xi1>, vector<16xf32>
      %swap3A_874 = arith.constant 0 : i32
      %swap3A_875 = arith.index_cast %rem3A_188 : i32 to index
      %swap3A_876 = arith.index_cast %swap3A_874 : i32 to index
      %swap3A_877 = arith.constant 48 : index
      %swap3A_878 = tpu.vector_load %arg16[%swap3A_875, %swap3A_876, %swap3A_877] {strides = array<i32>} : memref<2x3x128xf32, #tpu.memory_space<vmem>>, vector<1x1x16xf32>,
      %swap3A_879 = vector.shape_cast %swap3A_878 : vector<1x1x16xf32> to vector<16xf32>
      %swap3A_880 = vector.shape_cast %select_n3A_871 : vector<16xf32> to vector<1x1x16xf32>
      tpu.vector_store %arg16[%swap3A_875, %swap3A_876, %swap3A_877], %swap3A_880 {strides = array<i32>} : memref<2x3x128xf32, #tpu.memory_space<vmem>>, vector<1x1x16xf32>,
      %swap3A_881 = arith.constant 1 : i32
      %swap3A_882 = arith.index_cast %rem3A_188 : i32 to index
      %swap3A_883 = arith.index_cast %swap3A_881 : i32 to index
      %swap3A_884 = arith.constant 48 : index
      %swap3A_885 = tpu.vector_load %arg16[%swap3A_882, %swap3A_883, %swap3A_884] {strides = array<i32>} : memref<2x3x128xf32, #tpu.memory_space<vmem>>, vector<1x1x16xf32>,
      %swap3A_886 = vector.shape_cast %swap3A_885 : vector<1x1x16xf32> to vector<16xf32>
      %swap3A_887 = vector.shape_cast %select_n3A_872 : vector<16xf32> to vector<1x1x16xf32>
      tpu.vector_store %arg16[%swap3A_882, %swap3A_883, %swap3A_884], %swap3A_887 {strides = array<i32>} : memref<2x3x128xf32, #tpu.memory_space<vmem>>, vector<1x1x16xf32>,
      %swap3A_888 = arith.constant 2 : i32
      %swap3A_889 = arith.index_cast %rem3A_188 : i32 to index
      %swap3A_890 = arith.index_cast %swap3A_888 : i32 to index
      %swap3A_891 = arith.constant 48 : index
      %swap3A_892 = tpu.vector_load %arg16[%swap3A_889, %swap3A_890, %swap3A_891] {strides = array<i32>} : memref<2x3x128xf32, #tpu.memory_space<vmem>>, vector<1x1x16xf32>,
      %swap3A_893 = vector.shape_cast %swap3A_892 : vector<1x1x16xf32> to vector<16xf32>
      %swap3A_894 = vector.shape_cast %select_n3A_873 : vector<16xf32> to vector<1x1x16xf32>
      tpu.vector_store %arg16[%swap3A_889, %swap3A_890, %swap3A_891], %swap3A_894 {strides = array<i32>} : memref<2x3x128xf32, #tpu.memory_space<vmem>>, vector<1x1x16xf32>,
      %get3A_895 = arith.constant 0 : i32
      %get3A_896 = arith.constant 0 : i32
      %get3A_897 = arith.index_cast %rem3A_188 : i32 to index
      %get3A_898 = arith.index_cast %get3A_895 : i32 to index
      %get3A_899 = arith.index_cast %get3A_896 : i32 to index
      %get3A_900 = arith.constant 64 : index
      %get3A_901 = tpu.vector_load %arg10[%get3A_897, %get3A_898, %get3A_899, %get3A_900] {strides = array<i32>} : memref<2x3x3x128xf32, #tpu.memory_space<vmem>>, vector<1x1x1x16xf32>,
      %get3A_902 = vector.shape_cast %get3A_901 : vector<1x1x1x16xf32> to vector<16xf32>
      %get3A_903 = arith.constant 0 : i32
      %get3A_904 = arith.constant 1 : i32
      %get3A_905 = arith.index_cast %rem3A_188 : i32 to index
      %get3A_906 = arith.index_cast %get3A_903 : i32 to index
      %get3A_907 = arith.index_cast %get3A_904 : i32 to index
      %get3A_908 = arith.constant 64 : index
      %get3A_909 = tpu.vector_load %arg10[%get3A_905, %get3A_906, %get3A_907, %get3A_908] {strides = array<i32>} : memref<2x3x3x128xf32, #tpu.memory_space<vmem>>, vector<1x1x1x16xf32>,
      %get3A_910 = vector.shape_cast %get3A_909 : vector<1x1x1x16xf32> to vector<16xf32>
      %get3A_911 = arith.constant 0 : i32
      %get3A_912 = arith.constant 2 : i32
      %get3A_913 = arith.index_cast %rem3A_188 : i32 to index
      %get3A_914 = arith.index_cast %get3A_911 : i32 to index
      %get3A_915 = arith.index_cast %get3A_912 : i32 to index
      %get3A_916 = arith.constant 64 : index
      %get3A_917 = tpu.vector_load %arg10[%get3A_913, %get3A_914, %get3A_915, %get3A_916] {strides = array<i32>} : memref<2x3x3x128xf32, #tpu.memory_space<vmem>>, vector<1x1x1x16xf32>,
      %get3A_918 = vector.shape_cast %get3A_917 : vector<1x1x1x16xf32> to vector<16xf32>
      %get3A_919 = arith.constant 1 : i32
      %get3A_920 = arith.constant 0 : i32
      %get3A_921 = arith.index_cast %rem3A_188 : i32 to index
      %get3A_922 = arith.index_cast %get3A_919 : i32 to index
      %get3A_923 = arith.index_cast %get3A_920 : i32 to index
      %get3A_924 = arith.constant 64 : index
      %get3A_925 = tpu.vector_load %arg10[%get3A_921, %get3A_922, %get3A_923, %get3A_924] {strides = array<i32>} : memref<2x3x3x128xf32, #tpu.memory_space<vmem>>, vector<1x1x1x16xf32>,
      %get3A_926 = vector.shape_cast %get3A_925 : vector<1x1x1x16xf32> to vector<16xf32>
      %get3A_927 = arith.constant 1 : i32
      %get3A_928 = arith.constant 1 : i32
      %get3A_929 = arith.index_cast %rem3A_188 : i32 to index
      %get3A_930 = arith.index_cast %get3A_927 : i32 to index
      %get3A_931 = arith.index_cast %get3A_928 : i32 to index
      %get3A_932 = arith.constant 64 : index
      %get3A_933 = tpu.vector_load %arg10[%get3A_929, %get3A_930, %get3A_931, %get3A_932] {strides = array<i32>} : memref<2x3x3x128xf32, #tpu.memory_space<vmem>>, vector<1x1x1x16xf32>,
      %get3A_934 = vector.shape_cast %get3A_933 : vector<1x1x1x16xf32> to vector<16xf32>
      %get3A_935 = arith.constant 1 : i32
      %get3A_936 = arith.constant 2 : i32
      %get3A_937 = arith.index_cast %rem3A_188 : i32 to index
      %get3A_938 = arith.index_cast %get3A_935 : i32 to index
      %get3A_939 = arith.index_cast %get3A_936 : i32 to index
      %get3A_940 = arith.constant 64 : index
      %get3A_941 = tpu.vector_load %arg10[%get3A_937, %get3A_938, %get3A_939, %get3A_940] {strides = array<i32>} : memref<2x3x3x128xf32, #tpu.memory_space<vmem>>, vector<1x1x1x16xf32>,
      %get3A_942 = vector.shape_cast %get3A_941 : vector<1x1x1x16xf32> to vector<16xf32>
      %get3A_943 = arith.constant 2 : i32
      %get3A_944 = arith.constant 0 : i32
      %get3A_945 = arith.index_cast %rem3A_188 : i32 to index
      %get3A_946 = arith.index_cast %get3A_943 : i32 to index
      %get3A_947 = arith.index_cast %get3A_944 : i32 to index
      %get3A_948 = arith.constant 64 : index
      %get3A_949 = tpu.vector_load %arg10[%get3A_945, %get3A_946, %get3A_947, %get3A_948] {strides = array<i32>} : memref<2x3x3x128xf32, #tpu.memory_space<vmem>>, vector<1x1x1x16xf32>,
      %get3A_950 = vector.shape_cast %get3A_949 : vector<1x1x1x16xf32> to vector<16xf32>
      %get3A_951 = arith.constant 2 : i32
      %get3A_952 = arith.constant 1 : i32
      %get3A_953 = arith.index_cast %rem3A_188 : i32 to index
      %get3A_954 = arith.index_cast %get3A_951 : i32 to index
      %get3A_955 = arith.index_cast %get3A_952 : i32 to index
      %get3A_956 = arith.constant 64 : index
      %get3A_957 = tpu.vector_load %arg10[%get3A_953, %get3A_954, %get3A_955, %get3A_956] {strides = array<i32>} : memref<2x3x3x128xf32, #tpu.memory_space<vmem>>, vector<1x1x1x16xf32>,
      %get3A_958 = vector.shape_cast %get3A_957 : vector<1x1x1x16xf32> to vector<16xf32>
      %get3A_959 = arith.constant 2 : i32
      %get3A_960 = arith.constant 2 : i32
      %get3A_961 = arith.index_cast %rem3A_188 : i32 to index
      %get3A_962 = arith.index_cast %get3A_959 : i32 to index
      %get3A_963 = arith.index_cast %get3A_960 : i32 to index
      %get3A_964 = arith.constant 64 : index
      %get3A_965 = tpu.vector_load %arg10[%get3A_961, %get3A_962, %get3A_963, %get3A_964] {strides = array<i32>} : memref<2x3x3x128xf32, #tpu.memory_space<vmem>>, vector<1x1x1x16xf32>,
      %get3A_966 = vector.shape_cast %get3A_965 : vector<1x1x1x16xf32> to vector<16xf32>
      %sub3A_967 = arith.subf %get3A_934, %get3A_958 : vector<16xf32>
      %sub3A_968 = arith.subf %get3A_958, %get3A_910 : vector<16xf32>
      %sub3A_969 = arith.subf %get3A_910, %get3A_934 : vector<16xf32>
      %sub3A_970 = arith.subf %get3A_950, %get3A_926 : vector<16xf32>
      %sub3A_971 = arith.subf %get3A_902, %get3A_950 : vector<16xf32>
      %sub3A_972 = arith.subf %get3A_926, %get3A_902 : vector<16xf32>
      %mul3A_973 = arith.mulf %sub3A_972, %sub3A_968 : vector<16xf32>
      %mul3A_974 = arith.mulf %sub3A_971, %sub3A_969 : vector<16xf32>
      %sub3A_975 = arith.subf %mul3A_973, %mul3A_974 : vector<16xf32>
      %abs3A_976 = math.absf %sub3A_975 : vector<16xf32>
      %div3A_977 = arith.divf %broadcast_in_dim3A_12, %abs3A_976 : vector<16xf32>
      %eq3A_978 = arith.cmpf oeq, %sub3A_975, %broadcast_in_dim3A_10 : vector<16xf32>
      %select_n3A_979 = arith.select %eq3A_978, %broadcast_in_dim3A_8, %div3A_977 : vector<16xi1>, vector<16xf32>
      %mul3A_980 = arith.mulf %sub3A_967, %get3A_918 : vector<16xf32>
      %mul3A_981 = arith.mulf %sub3A_968, %get3A_942 : vector<16xf32>
      %add3A_982 = arith.addf %mul3A_980, %mul3A_981 : vector<16xf32>
      %mul3A_983 = arith.mulf %sub3A_969, %get3A_966 : vector<16xf32>
      %add3A_984 = arith.addf %add3A_982, %mul3A_983 : vector<16xf32>
      %mul3A_985 = arith.mulf %add3A_984, %select_n3A_979 : vector<16xf32>
      %mul3A_986 = arith.mulf %sub3A_970, %get3A_918 : vector<16xf32>
      %mul3A_987 = arith.mulf %sub3A_971, %get3A_942 : vector<16xf32>
      %add3A_988 = arith.addf %mul3A_986, %mul3A_987 : vector<16xf32>
      %mul3A_989 = arith.mulf %sub3A_972, %get3A_966 : vector<16xf32>
      %add3A_990 = arith.addf %add3A_988, %mul3A_989 : vector<16xf32>
      %mul3A_991 = arith.mulf %add3A_990, %select_n3A_979 : vector<16xf32>
      %mul3A_992 = arith.mulf %sub3A_967, %mul3A_985 : vector<16xf32>
      %mul3A_993 = arith.mulf %sub3A_970, %mul3A_991 : vector<16xf32>
      %add3A_994 = arith.addf %mul3A_992, %mul3A_993 : vector<16xf32>
      %neg3A_995 = arith.constant 0.000000e+00 : f32
      %neg3A_996 = vector.broadcast %neg3A_995 : f32 to vector<16xf32>
      %neg3A_997 = arith.subf %neg3A_996, %add3A_994 : vector<16xf32>
      %mul3A_998 = arith.mulf %sub3A_968, %mul3A_985 : vector<16xf32>
      %mul3A_999 = arith.mulf %sub3A_971, %mul3A_991 : vector<16xf32>
      %add3A_1000 = arith.addf %mul3A_998, %mul3A_999 : vector<16xf32>
      %neg3A_1001 = arith.constant 0.000000e+00 : f32
      %neg3A_1002 = vector.broadcast %neg3A_1001 : f32 to vector<16xf32>
      %neg3A_1003 = arith.subf %neg3A_1002, %add3A_1000 : vector<16xf32>
      %mul3A_1004 = arith.mulf %sub3A_969, %mul3A_985 : vector<16xf32>
      %mul3A_1005 = arith.mulf %sub3A_972, %mul3A_991 : vector<16xf32>
      %add3A_1006 = arith.addf %mul3A_1004, %mul3A_1005 : vector<16xf32>
      %neg3A_1007 = arith.constant 0.000000e+00 : f32
      %neg3A_1008 = vector.broadcast %neg3A_1007 : f32 to vector<16xf32>
      %neg3A_1009 = arith.subf %neg3A_1008, %add3A_1006 : vector<16xf32>
      %add3A_1010 = arith.constant 64 : i32
      %add3A_1011 = vector.broadcast %add3A_1010 : i32 to vector<16xi32>
      %add3A_1012 = arith.addi %iota3A, %add3A_1011 : vector<16xi32>
      %mul3A_1013 = arith.constant 128 : i32
      %mul3A_1014 = arith.muli %scan3A_187, %mul3A_1013 : i32
      %add3A_1015 = arith.addi %mul3A_14, %mul3A_1014 : i32
      %add3A_1016 = vector.broadcast %add3A_1015 : i32 to vector<16xi32>
      %add3A_1017 = arith.addi %add3A_1016, %add3A_1012 : vector<16xi32>
      %lt3A_1018 = arith.constant 200000 : i32
      %lt3A_1019 = vector.broadcast %lt3A_1018 : i32 to vector<16xi32>
      %lt3A_1020 = arith.cmpi slt, %add3A_1017, %lt3A_1019 : vector<16xi32>
      %select_n3A_1021 = arith.select %lt3A_1020, %neg3A_997, %broadcast_in_dim3A_10 : vector<16xi1>, vector<16xf32>
      %select_n3A_1022 = arith.select %lt3A_1020, %neg3A_1003, %broadcast_in_dim3A_10 : vector<16xi1>, vector<16xf32>
      %select_n3A_1023 = arith.select %lt3A_1020, %neg3A_1009, %broadcast_in_dim3A_10 : vector<16xi1>, vector<16xf32>
      %swap3A_1024 = arith.constant 0 : i32
      %swap3A_1025 = arith.index_cast %rem3A_188 : i32 to index
      %swap3A_1026 = arith.index_cast %swap3A_1024 : i32 to index
      %swap3A_1027 = arith.constant 64 : index
      %swap3A_1028 = tpu.vector_load %arg16[%swap3A_1025, %swap3A_1026, %swap3A_1027] {strides = array<i32>} : memref<2x3x128xf32, #tpu.memory_space<vmem>>, vector<1x1x16xf32>,
      %swap3A_1029 = vector.shape_cast %swap3A_1028 : vector<1x1x16xf32> to vector<16xf32>
      %swap3A_1030 = vector.shape_cast %select_n3A_1021 : vector<16xf32> to vector<1x1x16xf32>
      tpu.vector_store %arg16[%swap3A_1025, %swap3A_1026, %swap3A_1027], %swap3A_1030 {strides = array<i32>} : memref<2x3x128xf32, #tpu.memory_space<vmem>>, vector<1x1x16xf32>,
      %swap3A_1031 = arith.constant 1 : i32
      %swap3A_1032 = arith.index_cast %rem3A_188 : i32 to index
      %swap3A_1033 = arith.index_cast %swap3A_1031 : i32 to index
      %swap3A_1034 = arith.constant 64 : index
      %swap3A_1035 = tpu.vector_load %arg16[%swap3A_1032, %swap3A_1033, %swap3A_1034] {strides = array<i32>} : memref<2x3x128xf32, #tpu.memory_space<vmem>>, vector<1x1x16xf32>,
      %swap3A_1036 = vector.shape_cast %swap3A_1035 : vector<1x1x16xf32> to vector<16xf32>
      %swap3A_1037 = vector.shape_cast %select_n3A_1022 : vector<16xf32> to vector<1x1x16xf32>
      tpu.vector_store %arg16[%swap3A_1032, %swap3A_1033, %swap3A_1034], %swap3A_1037 {strides = array<i32>} : memref<2x3x128xf32, #tpu.memory_space<vmem>>, vector<1x1x16xf32>,
      %swap3A_1038 = arith.constant 2 : i32
      %swap3A_1039 = arith.index_cast %rem3A_188 : i32 to index
      %swap3A_1040 = arith.index_cast %swap3A_1038 : i32 to index
      %swap3A_1041 = arith.constant 64 : index
      %swap3A_1042 = tpu.vector_load %arg16[%swap3A_1039, %swap3A_1040, %swap3A_1041] {strides = array<i32>} : memref<2x3x128xf32, #tpu.memory_space<vmem>>, vector<1x1x16xf32>,
      %swap3A_1043 = vector.shape_cast %swap3A_1042 : vector<1x1x16xf32> to vector<16xf32>
      %swap3A_1044 = vector.shape_cast %select_n3A_1023 : vector<16xf32> to vector<1x1x16xf32>
      tpu.vector_store %arg16[%swap3A_1039, %swap3A_1040, %swap3A_1041], %swap3A_1044 {strides = array<i32>} : memref<2x3x128xf32, #tpu.memory_space<vmem>>, vector<1x1x16xf32>,
      %get3A_1045 = arith.constant 0 : i32
      %get3A_1046 = arith.constant 0 : i32
      %get3A_1047 = arith.index_cast %rem3A_188 : i32 to index
      %get3A_1048 = arith.index_cast %get3A_1045 : i32 to index
      %get3A_1049 = arith.index_cast %get3A_1046 : i32 to index
      %get3A_1050 = arith.constant 80 : index
      %get3A_1051 = tpu.vector_load %arg10[%get3A_1047, %get3A_1048, %get3A_1049, %get3A_1050] {strides = array<i32>} : memref<2x3x3x128xf32, #tpu.memory_space<vmem>>, vector<1x1x1x16xf32>,
      %get3A_1052 = vector.shape_cast %get3A_1051 : vector<1x1x1x16xf32> to vector<16xf32>
      %get3A_1053 = arith.constant 0 : i32
      %get3A_1054 = arith.constant 1 : i32
      %get3A_1055 = arith.index_cast %rem3A_188 : i32 to index
      %get3A_1056 = arith.index_cast %get3A_1053 : i32 to index
      %get3A_1057 = arith.index_cast %get3A_1054 : i32 to index
      %get3A_1058 = arith.constant 80 : index
      %get3A_1059 = tpu.vector_load %arg10[%get3A_1055, %get3A_1056, %get3A_1057, %get3A_1058] {strides = array<i32>} : memref<2x3x3x128xf32, #tpu.memory_space<vmem>>, vector<1x1x1x16xf32>,
      %get3A_1060 = vector.shape_cast %get3A_1059 : vector<1x1x1x16xf32> to vector<16xf32>
      %get3A_1061 = arith.constant 0 : i32
      %get3A_1062 = arith.constant 2 : i32
      %get3A_1063 = arith.index_cast %rem3A_188 : i32 to index
      %get3A_1064 = arith.index_cast %get3A_1061 : i32 to index
      %get3A_1065 = arith.index_cast %get3A_1062 : i32 to index
      %get3A_1066 = arith.constant 80 : index
      %get3A_1067 = tpu.vector_load %arg10[%get3A_1063, %get3A_1064, %get3A_1065, %get3A_1066] {strides = array<i32>} : memref<2x3x3x128xf32, #tpu.memory_space<vmem>>, vector<1x1x1x16xf32>,
      %get3A_1068 = vector.shape_cast %get3A_1067 : vector<1x1x1x16xf32> to vector<16xf32>
      %get3A_1069 = arith.constant 1 : i32
      %get3A_1070 = arith.constant 0 : i32
      %get3A_1071 = arith.index_cast %rem3A_188 : i32 to index
      %get3A_1072 = arith.index_cast %get3A_1069 : i32 to index
      %get3A_1073 = arith.index_cast %get3A_1070 : i32 to index
      %get3A_1074 = arith.constant 80 : index
      %get3A_1075 = tpu.vector_load %arg10[%get3A_1071, %get3A_1072, %get3A_1073, %get3A_1074] {strides = array<i32>} : memref<2x3x3x128xf32, #tpu.memory_space<vmem>>, vector<1x1x1x16xf32>,
      %get3A_1076 = vector.shape_cast %get3A_1075 : vector<1x1x1x16xf32> to vector<16xf32>
      %get3A_1077 = arith.constant 1 : i32
      %get3A_1078 = arith.constant 1 : i32
      %get3A_1079 = arith.index_cast %rem3A_188 : i32 to index
      %get3A_1080 = arith.index_cast %get3A_1077 : i32 to index
      %get3A_1081 = arith.index_cast %get3A_1078 : i32 to index
      %get3A_1082 = arith.constant 80 : index
      %get3A_1083 = tpu.vector_load %arg10[%get3A_1079, %get3A_1080, %get3A_1081, %get3A_1082] {strides = array<i32>} : memref<2x3x3x128xf32, #tpu.memory_space<vmem>>, vector<1x1x1x16xf32>,
      %get3A_1084 = vector.shape_cast %get3A_1083 : vector<1x1x1x16xf32> to vector<16xf32>
      %get3A_1085 = arith.constant 1 : i32
      %get3A_1086 = arith.constant 2 : i32
      %get3A_1087 = arith.index_cast %rem3A_188 : i32 to index
      %get3A_1088 = arith.index_cast %get3A_1085 : i32 to index
      %get3A_1089 = arith.index_cast %get3A_1086 : i32 to index
      %get3A_1090 = arith.constant 80 : index
      %get3A_1091 = tpu.vector_load %arg10[%get3A_1087, %get3A_1088, %get3A_1089, %get3A_1090] {strides = array<i32>} : memref<2x3x3x128xf32, #tpu.memory_space<vmem>>, vector<1x1x1x16xf32>,
      %get3A_1092 = vector.shape_cast %get3A_1091 : vector<1x1x1x16xf32> to vector<16xf32>
      %get3A_1093 = arith.constant 2 : i32
      %get3A_1094 = arith.constant 0 : i32
      %get3A_1095 = arith.index_cast %rem3A_188 : i32 to index
      %get3A_1096 = arith.index_cast %get3A_1093 : i32 to index
      %get3A_1097 = arith.index_cast %get3A_1094 : i32 to index
      %get3A_1098 = arith.constant 80 : index
      %get3A_1099 = tpu.vector_load %arg10[%get3A_1095, %get3A_1096, %get3A_1097, %get3A_1098] {strides = array<i32>} : memref<2x3x3x128xf32, #tpu.memory_space<vmem>>, vector<1x1x1x16xf32>,
      %get3A_1100 = vector.shape_cast %get3A_1099 : vector<1x1x1x16xf32> to vector<16xf32>
      %get3A_1101 = arith.constant 2 : i32
      %get3A_1102 = arith.constant 1 : i32
      %get3A_1103 = arith.index_cast %rem3A_188 : i32 to index
      %get3A_1104 = arith.index_cast %get3A_1101 : i32 to index
      %get3A_1105 = arith.index_cast %get3A_1102 : i32 to index
      %get3A_1106 = arith.constant 80 : index
      %get3A_1107 = tpu.vector_load %arg10[%get3A_1103, %get3A_1104, %get3A_1105, %get3A_1106] {strides = array<i32>} : memref<2x3x3x128xf32, #tpu.memory_space<vmem>>, vector<1x1x1x16xf32>,
      %get3A_1108 = vector.shape_cast %get3A_1107 : vector<1x1x1x16xf32> to vector<16xf32>
      %get3A_1109 = arith.constant 2 : i32
      %get3A_1110 = arith.constant 2 : i32
      %get3A_1111 = arith.index_cast %rem3A_188 : i32 to index
      %get3A_1112 = arith.index_cast %get3A_1109 : i32 to index
      %get3A_1113 = arith.index_cast %get3A_1110 : i32 to index
      %get3A_1114 = arith.constant 80 : index
      %get3A_1115 = tpu.vector_load %arg10[%get3A_1111, %get3A_1112, %get3A_1113, %get3A_1114] {strides = array<i32>} : memref<2x3x3x128xf32, #tpu.memory_space<vmem>>, vector<1x1x1x16xf32>,
      %get3A_1116 = vector.shape_cast %get3A_1115 : vector<1x1x1x16xf32> to vector<16xf32>
      %sub3A_1117 = arith.subf %get3A_1084, %get3A_1108 : vector<16xf32>
      %sub3A_1118 = arith.subf %get3A_1108, %get3A_1060 : vector<16xf32>
      %sub3A_1119 = arith.subf %get3A_1060, %get3A_1084 : vector<16xf32>
      %sub3A_1120 = arith.subf %get3A_1100, %get3A_1076 : vector<16xf32>
      %sub3A_1121 = arith.subf %get3A_1052, %get3A_1100 : vector<16xf32>
      %sub3A_1122 = arith.subf %get3A_1076, %get3A_1052 : vector<16xf32>
      %mul3A_1123 = arith.mulf %sub3A_1122, %sub3A_1118 : vector<16xf32>
      %mul3A_1124 = arith.mulf %sub3A_1121, %sub3A_1119 : vector<16xf32>
      %sub3A_1125 = arith.subf %mul3A_1123, %mul3A_1124 : vector<16xf32>
      %abs3A_1126 = math.absf %sub3A_1125 : vector<16xf32>
      %div3A_1127 = arith.divf %broadcast_in_dim3A_12, %abs3A_1126 : vector<16xf32>
      %eq3A_1128 = arith.cmpf oeq, %sub3A_1125, %broadcast_in_dim3A_10 : vector<16xf32>
      %select_n3A_1129 = arith.select %eq3A_1128, %broadcast_in_dim3A_8, %div3A_1127 : vector<16xi1>, vector<16xf32>
      %mul3A_1130 = arith.mulf %sub3A_1117, %get3A_1068 : vector<16xf32>
      %mul3A_1131 = arith.mulf %sub3A_1118, %get3A_1092 : vector<16xf32>
      %add3A_1132 = arith.addf %mul3A_1130, %mul3A_1131 : vector<16xf32>
      %mul3A_1133 = arith.mulf %sub3A_1119, %get3A_1116 : vector<16xf32>
      %add3A_1134 = arith.addf %add3A_1132, %mul3A_1133 : vector<16xf32>
      %mul3A_1135 = arith.mulf %add3A_1134, %select_n3A_1129 : vector<16xf32>
      %mul3A_1136 = arith.mulf %sub3A_1120, %get3A_1068 : vector<16xf32>
      %mul3A_1137 = arith.mulf %sub3A_1121, %get3A_1092 : vector<16xf32>
      %add3A_1138 = arith.addf %mul3A_1136, %mul3A_1137 : vector<16xf32>
      %mul3A_1139 = arith.mulf %sub3A_1122, %get3A_1116 : vector<16xf32>
      %add3A_1140 = arith.addf %add3A_1138, %mul3A_1139 : vector<16xf32>
      %mul3A_1141 = arith.mulf %add3A_1140, %select_n3A_1129 : vector<16xf32>
      %mul3A_1142 = arith.mulf %sub3A_1117, %mul3A_1135 : vector<16xf32>
      %mul3A_1143 = arith.mulf %sub3A_1120, %mul3A_1141 : vector<16xf32>
      %add3A_1144 = arith.addf %mul3A_1142, %mul3A_1143 : vector<16xf32>
      %neg3A_1145 = arith.constant 0.000000e+00 : f32
      %neg3A_1146 = vector.broadcast %neg3A_1145 : f32 to vector<16xf32>
      %neg3A_1147 = arith.subf %neg3A_1146, %add3A_1144 : vector<16xf32>
      %mul3A_1148 = arith.mulf %sub3A_1118, %mul3A_1135 : vector<16xf32>
      %mul3A_1149 = arith.mulf %sub3A_1121, %mul3A_1141 : vector<16xf32>
      %add3A_1150 = arith.addf %mul3A_1148, %mul3A_1149 : vector<16xf32>
      %neg3A_1151 = arith.constant 0.000000e+00 : f32
      %neg3A_1152 = vector.broadcast %neg3A_1151 : f32 to vector<16xf32>
      %neg3A_1153 = arith.subf %neg3A_1152, %add3A_1150 : vector<16xf32>
      %mul3A_1154 = arith.mulf %sub3A_1119, %mul3A_1135 : vector<16xf32>
      %mul3A_1155 = arith.mulf %sub3A_1122, %mul3A_1141 : vector<16xf32>
      %add3A_1156 = arith.addf %mul3A_1154, %mul3A_1155 : vector<16xf32>
      %neg3A_1157 = arith.constant 0.000000e+00 : f32
      %neg3A_1158 = vector.broadcast %neg3A_1157 : f32 to vector<16xf32>
      %neg3A_1159 = arith.subf %neg3A_1158, %add3A_1156 : vector<16xf32>
      %add3A_1160 = arith.constant 80 : i32
      %add3A_1161 = vector.broadcast %add3A_1160 : i32 to vector<16xi32>
      %add3A_1162 = arith.addi %iota3A, %add3A_1161 : vector<16xi32>
      %mul3A_1163 = arith.constant 128 : i32
      %mul3A_1164 = arith.muli %scan3A_187, %mul3A_1163 : i32
      %add3A_1165 = arith.addi %mul3A_14, %mul3A_1164 : i32
      %add3A_1166 = vector.broadcast %add3A_1165 : i32 to vector<16xi32>
      %add3A_1167 = arith.addi %add3A_1166, %add3A_1162 : vector<16xi32>
      %lt3A_1168 = arith.constant 200000 : i32
      %lt3A_1169 = vector.broadcast %lt3A_1168 : i32 to vector<16xi32>
      %lt3A_1170 = arith.cmpi slt, %add3A_1167, %lt3A_1169 : vector<16xi32>
      %select_n3A_1171 = arith.select %lt3A_1170, %neg3A_1147, %broadcast_in_dim3A_10 : vector<16xi1>, vector<16xf32>
      %select_n3A_1172 = arith.select %lt3A_1170, %neg3A_1153, %broadcast_in_dim3A_10 : vector<16xi1>, vector<16xf32>
      %select_n3A_1173 = arith.select %lt3A_1170, %neg3A_1159, %broadcast_in_dim3A_10 : vector<16xi1>, vector<16xf32>
      %swap3A_1174 = arith.constant 0 : i32
      %swap3A_1175 = arith.index_cast %rem3A_188 : i32 to index
      %swap3A_1176 = arith.index_cast %swap3A_1174 : i32 to index
      %swap3A_1177 = arith.constant 80 : index
      %swap3A_1178 = tpu.vector_load %arg16[%swap3A_1175, %swap3A_1176, %swap3A_1177] {strides = array<i32>} : memref<2x3x128xf32, #tpu.memory_space<vmem>>, vector<1x1x16xf32>,
      %swap3A_1179 = vector.shape_cast %swap3A_1178 : vector<1x1x16xf32> to vector<16xf32>
      %swap3A_1180 = vector.shape_cast %select_n3A_1171 : vector<16xf32> to vector<1x1x16xf32>
      tpu.vector_store %arg16[%swap3A_1175, %swap3A_1176, %swap3A_1177], %swap3A_1180 {strides = array<i32>} : memref<2x3x128xf32, #tpu.memory_space<vmem>>, vector<1x1x16xf32>,
      %swap3A_1181 = arith.constant 1 : i32
      %swap3A_1182 = arith.index_cast %rem3A_188 : i32 to index
      %swap3A_1183 = arith.index_cast %swap3A_1181 : i32 to index
      %swap3A_1184 = arith.constant 80 : index
      %swap3A_1185 = tpu.vector_load %arg16[%swap3A_1182, %swap3A_1183, %swap3A_1184] {strides = array<i32>} : memref<2x3x128xf32, #tpu.memory_space<vmem>>, vector<1x1x16xf32>,
      %swap3A_1186 = vector.shape_cast %swap3A_1185 : vector<1x1x16xf32> to vector<16xf32>
      %swap3A_1187 = vector.shape_cast %select_n3A_1172 : vector<16xf32> to vector<1x1x16xf32>
      tpu.vector_store %arg16[%swap3A_1182, %swap3A_1183, %swap3A_1184], %swap3A_1187 {strides = array<i32>} : memref<2x3x128xf32, #tpu.memory_space<vmem>>, vector<1x1x16xf32>,
      %swap3A_1188 = arith.constant 2 : i32
      %swap3A_1189 = arith.index_cast %rem3A_188 : i32 to index
      %swap3A_1190 = arith.index_cast %swap3A_1188 : i32 to index
      %swap3A_1191 = arith.constant 80 : index
      %swap3A_1192 = tpu.vector_load %arg16[%swap3A_1189, %swap3A_1190, %swap3A_1191] {strides = array<i32>} : memref<2x3x128xf32, #tpu.memory_space<vmem>>, vector<1x1x16xf32>,
      %swap3A_1193 = vector.shape_cast %swap3A_1192 : vector<1x1x16xf32> to vector<16xf32>
      %swap3A_1194 = vector.shape_cast %select_n3A_1173 : vector<16xf32> to vector<1x1x16xf32>
      tpu.vector_store %arg16[%swap3A_1189, %swap3A_1190, %swap3A_1191], %swap3A_1194 {strides = array<i32>} : memref<2x3x128xf32, #tpu.memory_space<vmem>>, vector<1x1x16xf32>,
      %get3A_1195 = arith.constant 0 : i32
      %get3A_1196 = arith.constant 0 : i32
      %get3A_1197 = arith.index_cast %rem3A_188 : i32 to index
      %get3A_1198 = arith.index_cast %get3A_1195 : i32 to index
      %get3A_1199 = arith.index_cast %get3A_1196 : i32 to index
      %get3A_1200 = arith.constant 96 : index
      %get3A_1201 = tpu.vector_load %arg10[%get3A_1197, %get3A_1198, %get3A_1199, %get3A_1200] {strides = array<i32>} : memref<2x3x3x128xf32, #tpu.memory_space<vmem>>, vector<1x1x1x16xf32>,
      %get3A_1202 = vector.shape_cast %get3A_1201 : vector<1x1x1x16xf32> to vector<16xf32>
      %get3A_1203 = arith.constant 0 : i32
      %get3A_1204 = arith.constant 1 : i32
      %get3A_1205 = arith.index_cast %rem3A_188 : i32 to index
      %get3A_1206 = arith.index_cast %get3A_1203 : i32 to index
      %get3A_1207 = arith.index_cast %get3A_1204 : i32 to index
      %get3A_1208 = arith.constant 96 : index
      %get3A_1209 = tpu.vector_load %arg10[%get3A_1205, %get3A_1206, %get3A_1207, %get3A_1208] {strides = array<i32>} : memref<2x3x3x128xf32, #tpu.memory_space<vmem>>, vector<1x1x1x16xf32>,
      %get3A_1210 = vector.shape_cast %get3A_1209 : vector<1x1x1x16xf32> to vector<16xf32>
      %get3A_1211 = arith.constant 0 : i32
      %get3A_1212 = arith.constant 2 : i32
      %get3A_1213 = arith.index_cast %rem3A_188 : i32 to index
      %get3A_1214 = arith.index_cast %get3A_1211 : i32 to index
      %get3A_1215 = arith.index_cast %get3A_1212 : i32 to index
      %get3A_1216 = arith.constant 96 : index
      %get3A_1217 = tpu.vector_load %arg10[%get3A_1213, %get3A_1214, %get3A_1215, %get3A_1216] {strides = array<i32>} : memref<2x3x3x128xf32, #tpu.memory_space<vmem>>, vector<1x1x1x16xf32>,
      %get3A_1218 = vector.shape_cast %get3A_1217 : vector<1x1x1x16xf32> to vector<16xf32>
      %get3A_1219 = arith.constant 1 : i32
      %get3A_1220 = arith.constant 0 : i32
      %get3A_1221 = arith.index_cast %rem3A_188 : i32 to index
      %get3A_1222 = arith.index_cast %get3A_1219 : i32 to index
      %get3A_1223 = arith.index_cast %get3A_1220 : i32 to index
      %get3A_1224 = arith.constant 96 : index
      %get3A_1225 = tpu.vector_load %arg10[%get3A_1221, %get3A_1222, %get3A_1223, %get3A_1224] {strides = array<i32>} : memref<2x3x3x128xf32, #tpu.memory_space<vmem>>, vector<1x1x1x16xf32>,
      %get3A_1226 = vector.shape_cast %get3A_1225 : vector<1x1x1x16xf32> to vector<16xf32>
      %get3A_1227 = arith.constant 1 : i32
      %get3A_1228 = arith.constant 1 : i32
      %get3A_1229 = arith.index_cast %rem3A_188 : i32 to index
      %get3A_1230 = arith.index_cast %get3A_1227 : i32 to index
      %get3A_1231 = arith.index_cast %get3A_1228 : i32 to index
      %get3A_1232 = arith.constant 96 : index
      %get3A_1233 = tpu.vector_load %arg10[%get3A_1229, %get3A_1230, %get3A_1231, %get3A_1232] {strides = array<i32>} : memref<2x3x3x128xf32, #tpu.memory_space<vmem>>, vector<1x1x1x16xf32>,
      %get3A_1234 = vector.shape_cast %get3A_1233 : vector<1x1x1x16xf32> to vector<16xf32>
      %get3A_1235 = arith.constant 1 : i32
      %get3A_1236 = arith.constant 2 : i32
      %get3A_1237 = arith.index_cast %rem3A_188 : i32 to index
      %get3A_1238 = arith.index_cast %get3A_1235 : i32 to index
      %get3A_1239 = arith.index_cast %get3A_1236 : i32 to index
      %get3A_1240 = arith.constant 96 : index
      %get3A_1241 = tpu.vector_load %arg10[%get3A_1237, %get3A_1238, %get3A_1239, %get3A_1240] {strides = array<i32>} : memref<2x3x3x128xf32, #tpu.memory_space<vmem>>, vector<1x1x1x16xf32>,
      %get3A_1242 = vector.shape_cast %get3A_1241 : vector<1x1x1x16xf32> to vector<16xf32>
      %get3A_1243 = arith.constant 2 : i32
      %get3A_1244 = arith.constant 0 : i32
      %get3A_1245 = arith.index_cast %rem3A_188 : i32 to index
      %get3A_1246 = arith.index_cast %get3A_1243 : i32 to index
      %get3A_1247 = arith.index_cast %get3A_1244 : i32 to index
      %get3A_1248 = arith.constant 96 : index
      %get3A_1249 = tpu.vector_load %arg10[%get3A_1245, %get3A_1246, %get3A_1247, %get3A_1248] {strides = array<i32>} : memref<2x3x3x128xf32, #tpu.memory_space<vmem>>, vector<1x1x1x16xf32>,
      %get3A_1250 = vector.shape_cast %get3A_1249 : vector<1x1x1x16xf32> to vector<16xf32>
      %get3A_1251 = arith.constant 2 : i32
      %get3A_1252 = arith.constant 1 : i32
      %get3A_1253 = arith.index_cast %rem3A_188 : i32 to index
      %get3A_1254 = arith.index_cast %get3A_1251 : i32 to index
      %get3A_1255 = arith.index_cast %get3A_1252 : i32 to index
      %get3A_1256 = arith.constant 96 : index
      %get3A_1257 = tpu.vector_load %arg10[%get3A_1253, %get3A_1254, %get3A_1255, %get3A_1256] {strides = array<i32>} : memref<2x3x3x128xf32, #tpu.memory_space<vmem>>, vector<1x1x1x16xf32>,
      %get3A_1258 = vector.shape_cast %get3A_1257 : vector<1x1x1x16xf32> to vector<16xf32>
      %get3A_1259 = arith.constant 2 : i32
      %get3A_1260 = arith.constant 2 : i32
      %get3A_1261 = arith.index_cast %rem3A_188 : i32 to index
      %get3A_1262 = arith.index_cast %get3A_1259 : i32 to index
      %get3A_1263 = arith.index_cast %get3A_1260 : i32 to index
      %get3A_1264 = arith.constant 96 : index
      %get3A_1265 = tpu.vector_load %arg10[%get3A_1261, %get3A_1262, %get3A_1263, %get3A_1264] {strides = array<i32>} : memref<2x3x3x128xf32, #tpu.memory_space<vmem>>, vector<1x1x1x16xf32>,
      %get3A_1266 = vector.shape_cast %get3A_1265 : vector<1x1x1x16xf32> to vector<16xf32>
      %sub3A_1267 = arith.subf %get3A_1234, %get3A_1258 : vector<16xf32>
      %sub3A_1268 = arith.subf %get3A_1258, %get3A_1210 : vector<16xf32>
      %sub3A_1269 = arith.subf %get3A_1210, %get3A_1234 : vector<16xf32>
      %sub3A_1270 = arith.subf %get3A_1250, %get3A_1226 : vector<16xf32>
      %sub3A_1271 = arith.subf %get3A_1202, %get3A_1250 : vector<16xf32>
      %sub3A_1272 = arith.subf %get3A_1226, %get3A_1202 : vector<16xf32>
      %mul3A_1273 = arith.mulf %sub3A_1272, %sub3A_1268 : vector<16xf32>
      %mul3A_1274 = arith.mulf %sub3A_1271, %sub3A_1269 : vector<16xf32>
      %sub3A_1275 = arith.subf %mul3A_1273, %mul3A_1274 : vector<16xf32>
      %abs3A_1276 = math.absf %sub3A_1275 : vector<16xf32>
      %div3A_1277 = arith.divf %broadcast_in_dim3A_12, %abs3A_1276 : vector<16xf32>
      %eq3A_1278 = arith.cmpf oeq, %sub3A_1275, %broadcast_in_dim3A_10 : vector<16xf32>
      %select_n3A_1279 = arith.select %eq3A_1278, %broadcast_in_dim3A_8, %div3A_1277 : vector<16xi1>, vector<16xf32>
      %mul3A_1280 = arith.mulf %sub3A_1267, %get3A_1218 : vector<16xf32>
      %mul3A_1281 = arith.mulf %sub3A_1268, %get3A_1242 : vector<16xf32>
      %add3A_1282 = arith.addf %mul3A_1280, %mul3A_1281 : vector<16xf32>
      %mul3A_1283 = arith.mulf %sub3A_1269, %get3A_1266 : vector<16xf32>
      %add3A_1284 = arith.addf %add3A_1282, %mul3A_1283 : vector<16xf32>
      %mul3A_1285 = arith.mulf %add3A_1284, %select_n3A_1279 : vector<16xf32>
      %mul3A_1286 = arith.mulf %sub3A_1270, %get3A_1218 : vector<16xf32>
      %mul3A_1287 = arith.mulf %sub3A_1271, %get3A_1242 : vector<16xf32>
      %add3A_1288 = arith.addf %mul3A_1286, %mul3A_1287 : vector<16xf32>
      %mul3A_1289 = arith.mulf %sub3A_1272, %get3A_1266 : vector<16xf32>
      %add3A_1290 = arith.addf %add3A_1288, %mul3A_1289 : vector<16xf32>
      %mul3A_1291 = arith.mulf %add3A_1290, %select_n3A_1279 : vector<16xf32>
      %mul3A_1292 = arith.mulf %sub3A_1267, %mul3A_1285 : vector<16xf32>
      %mul3A_1293 = arith.mulf %sub3A_1270, %mul3A_1291 : vector<16xf32>
      %add3A_1294 = arith.addf %mul3A_1292, %mul3A_1293 : vector<16xf32>
      %neg3A_1295 = arith.constant 0.000000e+00 : f32
      %neg3A_1296 = vector.broadcast %neg3A_1295 : f32 to vector<16xf32>
      %neg3A_1297 = arith.subf %neg3A_1296, %add3A_1294 : vector<16xf32>
      %mul3A_1298 = arith.mulf %sub3A_1268, %mul3A_1285 : vector<16xf32>
      %mul3A_1299 = arith.mulf %sub3A_1271, %mul3A_1291 : vector<16xf32>
      %add3A_1300 = arith.addf %mul3A_1298, %mul3A_1299 : vector<16xf32>
      %neg3A_1301 = arith.constant 0.000000e+00 : f32
      %neg3A_1302 = vector.broadcast %neg3A_1301 : f32 to vector<16xf32>
      %neg3A_1303 = arith.subf %neg3A_1302, %add3A_1300 : vector<16xf32>
      %mul3A_1304 = arith.mulf %sub3A_1269, %mul3A_1285 : vector<16xf32>
      %mul3A_1305 = arith.mulf %sub3A_1272, %mul3A_1291 : vector<16xf32>
      %add3A_1306 = arith.addf %mul3A_1304, %mul3A_1305 : vector<16xf32>
      %neg3A_1307 = arith.constant 0.000000e+00 : f32
      %neg3A_1308 = vector.broadcast %neg3A_1307 : f32 to vector<16xf32>
      %neg3A_1309 = arith.subf %neg3A_1308, %add3A_1306 : vector<16xf32>
      %add3A_1310 = arith.constant 96 : i32
      %add3A_1311 = vector.broadcast %add3A_1310 : i32 to vector<16xi32>
      %add3A_1312 = arith.addi %iota3A, %add3A_1311 : vector<16xi32>
      %mul3A_1313 = arith.constant 128 : i32
      %mul3A_1314 = arith.muli %scan3A_187, %mul3A_1313 : i32
      %add3A_1315 = arith.addi %mul3A_14, %mul3A_1314 : i32
      %add3A_1316 = vector.broadcast %add3A_1315 : i32 to vector<16xi32>
      %add3A_1317 = arith.addi %add3A_1316, %add3A_1312 : vector<16xi32>
      %lt3A_1318 = arith.constant 200000 : i32
      %lt3A_1319 = vector.broadcast %lt3A_1318 : i32 to vector<16xi32>
      %lt3A_1320 = arith.cmpi slt, %add3A_1317, %lt3A_1319 : vector<16xi32>
      %select_n3A_1321 = arith.select %lt3A_1320, %neg3A_1297, %broadcast_in_dim3A_10 : vector<16xi1>, vector<16xf32>
      %select_n3A_1322 = arith.select %lt3A_1320, %neg3A_1303, %broadcast_in_dim3A_10 : vector<16xi1>, vector<16xf32>
      %select_n3A_1323 = arith.select %lt3A_1320, %neg3A_1309, %broadcast_in_dim3A_10 : vector<16xi1>, vector<16xf32>
      %swap3A_1324 = arith.constant 0 : i32
      %swap3A_1325 = arith.index_cast %rem3A_188 : i32 to index
      %swap3A_1326 = arith.index_cast %swap3A_1324 : i32 to index
      %swap3A_1327 = arith.constant 96 : index
      %swap3A_1328 = tpu.vector_load %arg16[%swap3A_1325, %swap3A_1326, %swap3A_1327] {strides = array<i32>} : memref<2x3x128xf32, #tpu.memory_space<vmem>>, vector<1x1x16xf32>,
      %swap3A_1329 = vector.shape_cast %swap3A_1328 : vector<1x1x16xf32> to vector<16xf32>
      %swap3A_1330 = vector.shape_cast %select_n3A_1321 : vector<16xf32> to vector<1x1x16xf32>
      tpu.vector_store %arg16[%swap3A_1325, %swap3A_1326, %swap3A_1327], %swap3A_1330 {strides = array<i32>} : memref<2x3x128xf32, #tpu.memory_space<vmem>>, vector<1x1x16xf32>,
      %swap3A_1331 = arith.constant 1 : i32
      %swap3A_1332 = arith.index_cast %rem3A_188 : i32 to index
      %swap3A_1333 = arith.index_cast %swap3A_1331 : i32 to index
      %swap3A_1334 = arith.constant 96 : index
      %swap3A_1335 = tpu.vector_load %arg16[%swap3A_1332, %swap3A_1333, %swap3A_1334] {strides = array<i32>} : memref<2x3x128xf32, #tpu.memory_space<vmem>>, vector<1x1x16xf32>,
      %swap3A_1336 = vector.shape_cast %swap3A_1335 : vector<1x1x16xf32> to vector<16xf32>
      %swap3A_1337 = vector.shape_cast %select_n3A_1322 : vector<16xf32> to vector<1x1x16xf32>
      tpu.vector_store %arg16[%swap3A_1332, %swap3A_1333, %swap3A_1334], %swap3A_1337 {strides = array<i32>} : memref<2x3x128xf32, #tpu.memory_space<vmem>>, vector<1x1x16xf32>,
      %swap3A_1338 = arith.constant 2 : i32
      %swap3A_1339 = arith.index_cast %rem3A_188 : i32 to index
      %swap3A_1340 = arith.index_cast %swap3A_1338 : i32 to index
      %swap3A_1341 = arith.constant 96 : index
      %swap3A_1342 = tpu.vector_load %arg16[%swap3A_1339, %swap3A_1340, %swap3A_1341] {strides = array<i32>} : memref<2x3x128xf32, #tpu.memory_space<vmem>>, vector<1x1x16xf32>,
      %swap3A_1343 = vector.shape_cast %swap3A_1342 : vector<1x1x16xf32> to vector<16xf32>
      %swap3A_1344 = vector.shape_cast %select_n3A_1323 : vector<16xf32> to vector<1x1x16xf32>
      tpu.vector_store %arg16[%swap3A_1339, %swap3A_1340, %swap3A_1341], %swap3A_1344 {strides = array<i32>} : memref<2x3x128xf32, #tpu.memory_space<vmem>>, vector<1x1x16xf32>,
      %get3A_1345 = arith.constant 0 : i32
      %get3A_1346 = arith.constant 0 : i32
      %get3A_1347 = arith.index_cast %rem3A_188 : i32 to index
      %get3A_1348 = arith.index_cast %get3A_1345 : i32 to index
      %get3A_1349 = arith.index_cast %get3A_1346 : i32 to index
      %get3A_1350 = arith.constant 112 : index
      %get3A_1351 = tpu.vector_load %arg10[%get3A_1347, %get3A_1348, %get3A_1349, %get3A_1350] {strides = array<i32>} : memref<2x3x3x128xf32, #tpu.memory_space<vmem>>, vector<1x1x1x16xf32>,
      %get3A_1352 = vector.shape_cast %get3A_1351 : vector<1x1x1x16xf32> to vector<16xf32>
      %get3A_1353 = arith.constant 0 : i32
      %get3A_1354 = arith.constant 1 : i32
      %get3A_1355 = arith.index_cast %rem3A_188 : i32 to index
      %get3A_1356 = arith.index_cast %get3A_1353 : i32 to index
      %get3A_1357 = arith.index_cast %get3A_1354 : i32 to index
      %get3A_1358 = arith.constant 112 : index
      %get3A_1359 = tpu.vector_load %arg10[%get3A_1355, %get3A_1356, %get3A_1357, %get3A_1358] {strides = array<i32>} : memref<2x3x3x128xf32, #tpu.memory_space<vmem>>, vector<1x1x1x16xf32>,
      %get3A_1360 = vector.shape_cast %get3A_1359 : vector<1x1x1x16xf32> to vector<16xf32>
      %get3A_1361 = arith.constant 0 : i32
      %get3A_1362 = arith.constant 2 : i32
      %get3A_1363 = arith.index_cast %rem3A_188 : i32 to index
      %get3A_1364 = arith.index_cast %get3A_1361 : i32 to index
      %get3A_1365 = arith.index_cast %get3A_1362 : i32 to index
      %get3A_1366 = arith.constant 112 : index
      %get3A_1367 = tpu.vector_load %arg10[%get3A_1363, %get3A_1364, %get3A_1365, %get3A_1366] {strides = array<i32>} : memref<2x3x3x128xf32, #tpu.memory_space<vmem>>, vector<1x1x1x16xf32>,
      %get3A_1368 = vector.shape_cast %get3A_1367 : vector<1x1x1x16xf32> to vector<16xf32>
      %get3A_1369 = arith.constant 1 : i32
      %get3A_1370 = arith.constant 0 : i32
      %get3A_1371 = arith.index_cast %rem3A_188 : i32 to index
      %get3A_1372 = arith.index_cast %get3A_1369 : i32 to index
      %get3A_1373 = arith.index_cast %get3A_1370 : i32 to index
      %get3A_1374 = arith.constant 112 : index
      %get3A_1375 = tpu.vector_load %arg10[%get3A_1371, %get3A_1372, %get3A_1373, %get3A_1374] {strides = array<i32>} : memref<2x3x3x128xf32, #tpu.memory_space<vmem>>, vector<1x1x1x16xf32>,
      %get3A_1376 = vector.shape_cast %get3A_1375 : vector<1x1x1x16xf32> to vector<16xf32>
      %get3A_1377 = arith.constant 1 : i32
      %get3A_1378 = arith.constant 1 : i32
      %get3A_1379 = arith.index_cast %rem3A_188 : i32 to index
      %get3A_1380 = arith.index_cast %get3A_1377 : i32 to index
      %get3A_1381 = arith.index_cast %get3A_1378 : i32 to index
      %get3A_1382 = arith.constant 112 : index
      %get3A_1383 = tpu.vector_load %arg10[%get3A_1379, %get3A_1380, %get3A_1381, %get3A_1382] {strides = array<i32>} : memref<2x3x3x128xf32, #tpu.memory_space<vmem>>, vector<1x1x1x16xf32>,
      %get3A_1384 = vector.shape_cast %get3A_1383 : vector<1x1x1x16xf32> to vector<16xf32>
      %get3A_1385 = arith.constant 1 : i32
      %get3A_1386 = arith.constant 2 : i32
      %get3A_1387 = arith.index_cast %rem3A_188 : i32 to index
      %get3A_1388 = arith.index_cast %get3A_1385 : i32 to index
      %get3A_1389 = arith.index_cast %get3A_1386 : i32 to index
      %get3A_1390 = arith.constant 112 : index
      %get3A_1391 = tpu.vector_load %arg10[%get3A_1387, %get3A_1388, %get3A_1389, %get3A_1390] {strides = array<i32>} : memref<2x3x3x128xf32, #tpu.memory_space<vmem>>, vector<1x1x1x16xf32>,
      %get3A_1392 = vector.shape_cast %get3A_1391 : vector<1x1x1x16xf32> to vector<16xf32>
      %get3A_1393 = arith.constant 2 : i32
      %get3A_1394 = arith.constant 0 : i32
      %get3A_1395 = arith.index_cast %rem3A_188 : i32 to index
      %get3A_1396 = arith.index_cast %get3A_1393 : i32 to index
      %get3A_1397 = arith.index_cast %get3A_1394 : i32 to index
      %get3A_1398 = arith.constant 112 : index
      %get3A_1399 = tpu.vector_load %arg10[%get3A_1395, %get3A_1396, %get3A_1397, %get3A_1398] {strides = array<i32>} : memref<2x3x3x128xf32, #tpu.memory_space<vmem>>, vector<1x1x1x16xf32>,
      %get3A_1400 = vector.shape_cast %get3A_1399 : vector<1x1x1x16xf32> to vector<16xf32>
      %get3A_1401 = arith.constant 2 : i32
      %get3A_1402 = arith.constant 1 : i32
      %get3A_1403 = arith.index_cast %rem3A_188 : i32 to index
      %get3A_1404 = arith.index_cast %get3A_1401 : i32 to index
      %get3A_1405 = arith.index_cast %get3A_1402 : i32 to index
      %get3A_1406 = arith.constant 112 : index
      %get3A_1407 = tpu.vector_load %arg10[%get3A_1403, %get3A_1404, %get3A_1405, %get3A_1406] {strides = array<i32>} : memref<2x3x3x128xf32, #tpu.memory_space<vmem>>, vector<1x1x1x16xf32>,
      %get3A_1408 = vector.shape_cast %get3A_1407 : vector<1x1x1x16xf32> to vector<16xf32>
      %get3A_1409 = arith.constant 2 : i32
      %get3A_1410 = arith.constant 2 : i32
      %get3A_1411 = arith.index_cast %rem3A_188 : i32 to index
      %get3A_1412 = arith.index_cast %get3A_1409 : i32 to index
      %get3A_1413 = arith.index_cast %get3A_1410 : i32 to index
      %get3A_1414 = arith.constant 112 : index
      %get3A_1415 = tpu.vector_load %arg10[%get3A_1411, %get3A_1412, %get3A_1413, %get3A_1414] {strides = array<i32>} : memref<2x3x3x128xf32, #tpu.memory_space<vmem>>, vector<1x1x1x16xf32>,
      %get3A_1416 = vector.shape_cast %get3A_1415 : vector<1x1x1x16xf32> to vector<16xf32>
      %sub3A_1417 = arith.subf %get3A_1384, %get3A_1408 : vector<16xf32>
      %sub3A_1418 = arith.subf %get3A_1408, %get3A_1360 : vector<16xf32>
      %sub3A_1419 = arith.subf %get3A_1360, %get3A_1384 : vector<16xf32>
      %sub3A_1420 = arith.subf %get3A_1400, %get3A_1376 : vector<16xf32>
      %sub3A_1421 = arith.subf %get3A_1352, %get3A_1400 : vector<16xf32>
      %sub3A_1422 = arith.subf %get3A_1376, %get3A_1352 : vector<16xf32>
      %mul3A_1423 = arith.mulf %sub3A_1422, %sub3A_1418 : vector<16xf32>
      %mul3A_1424 = arith.mulf %sub3A_1421, %sub3A_1419 : vector<16xf32>
      %sub3A_1425 = arith.subf %mul3A_1423, %mul3A_1424 : vector<16xf32>
      %abs3A_1426 = math.absf %sub3A_1425 : vector<16xf32>
      %div3A_1427 = arith.divf %broadcast_in_dim3A_12, %abs3A_1426 : vector<16xf32>
      %eq3A_1428 = arith.cmpf oeq, %sub3A_1425, %broadcast_in_dim3A_10 : vector<16xf32>
      %select_n3A_1429 = arith.select %eq3A_1428, %broadcast_in_dim3A_8, %div3A_1427 : vector<16xi1>, vector<16xf32>
      %mul3A_1430 = arith.mulf %sub3A_1417, %get3A_1368 : vector<16xf32>
      %mul3A_1431 = arith.mulf %sub3A_1418, %get3A_1392 : vector<16xf32>
      %add3A_1432 = arith.addf %mul3A_1430, %mul3A_1431 : vector<16xf32>
      %mul3A_1433 = arith.mulf %sub3A_1419, %get3A_1416 : vector<16xf32>
      %add3A_1434 = arith.addf %add3A_1432, %mul3A_1433 : vector<16xf32>
      %mul3A_1435 = arith.mulf %add3A_1434, %select_n3A_1429 : vector<16xf32>
      %mul3A_1436 = arith.mulf %sub3A_1420, %get3A_1368 : vector<16xf32>
      %mul3A_1437 = arith.mulf %sub3A_1421, %get3A_1392 : vector<16xf32>
      %add3A_1438 = arith.addf %mul3A_1436, %mul3A_1437 : vector<16xf32>
      %mul3A_1439 = arith.mulf %sub3A_1422, %get3A_1416 : vector<16xf32>
      %add3A_1440 = arith.addf %add3A_1438, %mul3A_1439 : vector<16xf32>
      %mul3A_1441 = arith.mulf %add3A_1440, %select_n3A_1429 : vector<16xf32>
      %mul3A_1442 = arith.mulf %sub3A_1417, %mul3A_1435 : vector<16xf32>
      %mul3A_1443 = arith.mulf %sub3A_1420, %mul3A_1441 : vector<16xf32>
      %add3A_1444 = arith.addf %mul3A_1442, %mul3A_1443 : vector<16xf32>
      %neg3A_1445 = arith.constant 0.000000e+00 : f32
      %neg3A_1446 = vector.broadcast %neg3A_1445 : f32 to vector<16xf32>
      %neg3A_1447 = arith.subf %neg3A_1446, %add3A_1444 : vector<16xf32>
      %mul3A_1448 = arith.mulf %sub3A_1418, %mul3A_1435 : vector<16xf32>
      %mul3A_1449 = arith.mulf %sub3A_1421, %mul3A_1441 : vector<16xf32>
      %add3A_1450 = arith.addf %mul3A_1448, %mul3A_1449 : vector<16xf32>
      %neg3A_1451 = arith.constant 0.000000e+00 : f32
      %neg3A_1452 = vector.broadcast %neg3A_1451 : f32 to vector<16xf32>
      %neg3A_1453 = arith.subf %neg3A_1452, %add3A_1450 : vector<16xf32>
      %mul3A_1454 = arith.mulf %sub3A_1419, %mul3A_1435 : vector<16xf32>
      %mul3A_1455 = arith.mulf %sub3A_1422, %mul3A_1441 : vector<16xf32>
      %add3A_1456 = arith.addf %mul3A_1454, %mul3A_1455 : vector<16xf32>
      %neg3A_1457 = arith.constant 0.000000e+00 : f32
      %neg3A_1458 = vector.broadcast %neg3A_1457 : f32 to vector<16xf32>
      %neg3A_1459 = arith.subf %neg3A_1458, %add3A_1456 : vector<16xf32>
      %add3A_1460 = arith.constant 112 : i32
      %add3A_1461 = vector.broadcast %add3A_1460 : i32 to vector<16xi32>
      %add3A_1462 = arith.addi %iota3A, %add3A_1461 : vector<16xi32>
      %mul3A_1463 = arith.constant 128 : i32
      %mul3A_1464 = arith.muli %scan3A_187, %mul3A_1463 : i32
      %add3A_1465 = arith.addi %mul3A_14, %mul3A_1464 : i32
      %add3A_1466 = vector.broadcast %add3A_1465 : i32 to vector<16xi32>
      %add3A_1467 = arith.addi %add3A_1466, %add3A_1462 : vector<16xi32>
      %lt3A_1468 = arith.constant 200000 : i32
      %lt3A_1469 = vector.broadcast %lt3A_1468 : i32 to vector<16xi32>
      %lt3A_1470 = arith.cmpi slt, %add3A_1467, %lt3A_1469 : vector<16xi32>
      %select_n3A_1471 = arith.select %lt3A_1470, %neg3A_1447, %broadcast_in_dim3A_10 : vector<16xi1>, vector<16xf32>
      %select_n3A_1472 = arith.select %lt3A_1470, %neg3A_1453, %broadcast_in_dim3A_10 : vector<16xi1>, vector<16xf32>
      %select_n3A_1473 = arith.select %lt3A_1470, %neg3A_1459, %broadcast_in_dim3A_10 : vector<16xi1>, vector<16xf32>
      %swap3A_1474 = arith.constant 0 : i32
      %swap3A_1475 = arith.index_cast %rem3A_188 : i32 to index
      %swap3A_1476 = arith.index_cast %swap3A_1474 : i32 to index
      %swap3A_1477 = arith.constant 112 : index
      %swap3A_1478 = tpu.vector_load %arg16[%swap3A_1475, %swap3A_1476, %swap3A_1477] {strides = array<i32>} : memref<2x3x128xf32, #tpu.memory_space<vmem>>, vector<1x1x16xf32>,
      %swap3A_1479 = vector.shape_cast %swap3A_1478 : vector<1x1x16xf32> to vector<16xf32>
      %swap3A_1480 = vector.shape_cast %select_n3A_1471 : vector<16xf32> to vector<1x1x16xf32>
      tpu.vector_store %arg16[%swap3A_1475, %swap3A_1476, %swap3A_1477], %swap3A_1480 {strides = array<i32>} : memref<2x3x128xf32, #tpu.memory_space<vmem>>, vector<1x1x16xf32>,
      %swap3A_1481 = arith.constant 1 : i32
      %swap3A_1482 = arith.index_cast %rem3A_188 : i32 to index
      %swap3A_1483 = arith.index_cast %swap3A_1481 : i32 to index
      %swap3A_1484 = arith.constant 112 : index
      %swap3A_1485 = tpu.vector_load %arg16[%swap3A_1482, %swap3A_1483, %swap3A_1484] {strides = array<i32>} : memref<2x3x128xf32, #tpu.memory_space<vmem>>, vector<1x1x16xf32>,
      %swap3A_1486 = vector.shape_cast %swap3A_1485 : vector<1x1x16xf32> to vector<16xf32>
      %swap3A_1487 = vector.shape_cast %select_n3A_1472 : vector<16xf32> to vector<1x1x16xf32>
      tpu.vector_store %arg16[%swap3A_1482, %swap3A_1483, %swap3A_1484], %swap3A_1487 {strides = array<i32>} : memref<2x3x128xf32, #tpu.memory_space<vmem>>, vector<1x1x16xf32>,
      %swap3A_1488 = arith.constant 2 : i32
      %swap3A_1489 = arith.index_cast %rem3A_188 : i32 to index
      %swap3A_1490 = arith.index_cast %swap3A_1488 : i32 to index
      %swap3A_1491 = arith.constant 112 : index
      %swap3A_1492 = tpu.vector_load %arg16[%swap3A_1489, %swap3A_1490, %swap3A_1491] {strides = array<i32>} : memref<2x3x128xf32, #tpu.memory_space<vmem>>, vector<1x1x16xf32>,
      %swap3A_1493 = vector.shape_cast %swap3A_1492 : vector<1x1x16xf32> to vector<16xf32>
      %swap3A_1494 = vector.shape_cast %select_n3A_1473 : vector<16xf32> to vector<1x1x16xf32>
      tpu.vector_store %arg16[%swap3A_1489, %swap3A_1490, %swap3A_1491], %swap3A_1494 {strides = array<i32>} : memref<2x3x128xf32, #tpu.memory_space<vmem>>, vector<1x1x16xf32>,
      %dma_start3A_1495 = arith.constant 0 : i32
      %dma_start3A_1496 = arith.constant 0 : i32
      %dma_start3A_1497 = arith.constant 0 : i32
      %dma_start3A_1498 = tpu.memref_slice %arg16[%rem3A_188, %dma_start3A_1495, %dma_start3A_1497] : memref<2x3x128xf32, #tpu.memory_space<vmem>> -> memref<1x1x128xf32, #tpu.memory_space<vmem>>
      %dma_start3A_1499 = tpu.memref_squeeze %dma_start3A_1498 : memref<1x1x128xf32, #tpu.memory_space<vmem>> -> memref<128xf32, #tpu.memory_space<vmem>>
      %dma_start3A_1500 = arith.constant 0 : i32
      %dma_start3A_1501 = tpu.memref_slice %arg11[%dma_start3A_1496, %scan3A_187, %dma_start3A_1500] : memref<3x50x128xi32, #tpu.memory_space<vmem>> -> memref<1x1x128xi32, #tpu.memory_space<vmem>>
      %dma_start3A_1502 = tpu.memref_squeeze %dma_start3A_1501 : memref<1x1x128xi32, #tpu.memory_space<vmem>> -> memref<128xi32, #tpu.memory_space<vmem>>
      %dma_start3A_1503 = arith.constant 0 : i32
      %dma_start3A_1504 = tpu.memref_slice %arg9[%dma_start3A_1503] : memref<100352xf32, #tpu.memory_space<vmem_shared>> -> memref<100352xf32, #tpu.memory_space<vmem_shared>>
      tpu.enqueue_indirect_dma source(%dma_start3A_1499 : memref<128xf32, #tpu.memory_space<vmem>>) target(%dma_start3A_1504 : memref<100352xf32, #tpu.memory_space<vmem_shared>>) offsets(%dma_start3A_1502 : memref<128xi32, #tpu.memory_space<vmem>>) semaphore(%arg14 : memref<!tpu.dma_semaphore, #tpu.memory_space<semaphore_mem>>) {add = true}
      %dma_start3A_1505 = arith.constant 1 : i32
      %dma_start3A_1506 = arith.constant 1 : i32
      %dma_start3A_1507 = arith.constant 0 : i32
      %dma_start3A_1508 = tpu.memref_slice %arg16[%rem3A_188, %dma_start3A_1505, %dma_start3A_1507] : memref<2x3x128xf32, #tpu.memory_space<vmem>> -> memref<1x1x128xf32, #tpu.memory_space<vmem>>
      %dma_start3A_1509 = tpu.memref_squeeze %dma_start3A_1508 : memref<1x1x128xf32, #tpu.memory_space<vmem>> -> memref<128xf32, #tpu.memory_space<vmem>>
      %dma_start3A_1510 = arith.constant 0 : i32
      %dma_start3A_1511 = tpu.memref_slice %arg11[%dma_start3A_1506, %scan3A_187, %dma_start3A_1510] : memref<3x50x128xi32, #tpu.memory_space<vmem>> -> memref<1x1x128xi32, #tpu.memory_space<vmem>>
      %dma_start3A_1512 = tpu.memref_squeeze %dma_start3A_1511 : memref<1x1x128xi32, #tpu.memory_space<vmem>> -> memref<128xi32, #tpu.memory_space<vmem>>
      %dma_start3A_1513 = arith.constant 0 : i32
      %dma_start3A_1514 = tpu.memref_slice %arg9[%dma_start3A_1513] : memref<100352xf32, #tpu.memory_space<vmem_shared>> -> memref<100352xf32, #tpu.memory_space<vmem_shared>>
      tpu.enqueue_indirect_dma source(%dma_start3A_1509 : memref<128xf32, #tpu.memory_space<vmem>>) target(%dma_start3A_1514 : memref<100352xf32, #tpu.memory_space<vmem_shared>>) offsets(%dma_start3A_1512 : memref<128xi32, #tpu.memory_space<vmem>>) semaphore(%arg14 : memref<!tpu.dma_semaphore, #tpu.memory_space<semaphore_mem>>) {add = true}
      %dma_start3A_1515 = arith.constant 2 : i32
      %dma_start3A_1516 = arith.constant 2 : i32
      %dma_start3A_1517 = arith.constant 0 : i32
      %dma_start3A_1518 = tpu.memref_slice %arg16[%rem3A_188, %dma_start3A_1515, %dma_start3A_1517] : memref<2x3x128xf32, #tpu.memory_space<vmem>> -> memref<1x1x128xf32, #tpu.memory_space<vmem>>
      %dma_start3A_1519 = tpu.memref_squeeze %dma_start3A_1518 : memref<1x1x128xf32, #tpu.memory_space<vmem>> -> memref<128xf32, #tpu.memory_space<vmem>>
      %dma_start3A_1520 = arith.constant 0 : i32
      %dma_start3A_1521 = tpu.memref_slice %arg11[%dma_start3A_1516, %scan3A_187, %dma_start3A_1520] : memref<3x50x128xi32, #tpu.memory_space<vmem>> -> memref<1x1x128xi32, #tpu.memory_space<vmem>>
      %dma_start3A_1522 = tpu.memref_squeeze %dma_start3A_1521 : memref<1x1x128xi32, #tpu.memory_space<vmem>> -> memref<128xi32, #tpu.memory_space<vmem>>
      %dma_start3A_1523 = arith.constant 0 : i32
      %dma_start3A_1524 = tpu.memref_slice %arg9[%dma_start3A_1523] : memref<100352xf32, #tpu.memory_space<vmem_shared>> -> memref<100352xf32, #tpu.memory_space<vmem_shared>>
      tpu.enqueue_indirect_dma source(%dma_start3A_1519 : memref<128xf32, #tpu.memory_space<vmem>>) target(%dma_start3A_1524 : memref<100352xf32, #tpu.memory_space<vmem_shared>>) offsets(%dma_start3A_1522 : memref<128xi32, #tpu.memory_space<vmem>>) semaphore(%arg14 : memref<!tpu.dma_semaphore, #tpu.memory_space<semaphore_mem>>) {add = true}
    }
    %scan3A_135 = arith.constant 49 : i32
    %dma_wait3A = arith.constant 1 : i32
    %dma_wait3A_136 = arith.constant 0 : i32
    %dma_wait3A_137 = arith.constant 0 : i32
    %dma_wait3A_138 = arith.constant 0 : i32
    %dma_wait3A_139 = tpu.memref_slice %arg10[%dma_wait3A, %dma_wait3A_136, %dma_wait3A_137, %dma_wait3A_138] : memref<2x3x3x128xf32, #tpu.memory_space<vmem>> -> memref<1x3x3x128xf32, #tpu.memory_space<vmem>>
    %dma_wait3A_140 = tpu.memref_squeeze %dma_wait3A_139 : memref<1x3x3x128xf32, #tpu.memory_space<vmem>> -> memref<3x3x128xf32, #tpu.memory_space<vmem>>
    %dma_wait3A_141 = arith.constant 0 : i32
    %dma_wait3A_142 = arith.constant 0 : i32
    %dma_wait3A_143 = arith.constant 0 : i32
    %dma_wait3A_144 = tpu.memref_slice %arg10[%dma_wait3A, %dma_wait3A_141, %dma_wait3A_142, %dma_wait3A_143] : memref<2x3x3x128xf32, #tpu.memory_space<vmem>> -> memref<1x3x3x128xf32, #tpu.memory_space<vmem>>
    %dma_wait3A_145 = tpu.memref_squeeze %dma_wait3A_144 : memref<1x3x3x128xf32, #tpu.memory_space<vmem>> -> memref<3x3x128xf32, #tpu.memory_space<vmem>>
    tpu.wait_dma2 semaphore(%arg13 : memref<!tpu.dma_semaphore, #tpu.memory_space<semaphore_mem>>) src(%arg7 : memref<3x3x128xf32, #tpu.memory_space<hbm>>) dst(%dma_wait3A_145 : memref<3x3x128xf32, #tpu.memory_space<vmem>>)
    %dma_wait3A_146 = arith.constant 0 : i32
    %dma_wait3A_147 = arith.constant 1 : i32
    %dma_wait3A_148 = arith.constant 0 : i32
    %dma_wait3A_149 = arith.constant 0 : i32
    %dma_wait3A_150 = tpu.memref_slice %arg16[%dma_wait3A_147, %dma_wait3A_148, %dma_wait3A_149] : memref<2x3x128xf32, #tpu.memory_space<vmem>> -> memref<1x3x128xf32, #tpu.memory_space<vmem>>
    %dma_wait3A_151 = tpu.memref_squeeze %dma_wait3A_150 : memref<1x3x128xf32, #tpu.memory_space<vmem>> -> memref<3x128xf32, #tpu.memory_space<vmem>>
    %dma_wait3A_152 = arith.constant 0 : i32
    %dma_wait3A_153 = arith.constant 0 : i32
    %dma_wait3A_154 = tpu.memref_slice %arg7[%dma_wait3A_146, %dma_wait3A_152, %dma_wait3A_153] : memref<3x3x128xf32, #tpu.memory_space<hbm>> -> memref<1x3x128xf32, #tpu.memory_space<hbm>>
    %dma_wait3A_155 = tpu.memref_squeeze %dma_wait3A_154 : memref<1x3x128xf32, #tpu.memory_space<hbm>> -> memref<3x128xf32, #tpu.memory_space<hbm>>
    %dma_wait3A_156 = arith.constant 0 : i32
    %dma_wait3A_157 = arith.constant 0 : i32
    %dma_wait3A_158 = tpu.memref_slice %arg16[%dma_wait3A_147, %dma_wait3A_156, %dma_wait3A_157] : memref<2x3x128xf32, #tpu.memory_space<vmem>> -> memref<1x3x128xf32, #tpu.memory_space<vmem>>
    %dma_wait3A_159 = tpu.memref_squeeze %dma_wait3A_158 : memref<1x3x128xf32, #tpu.memory_space<vmem>> -> memref<3x128xf32, #tpu.memory_space<vmem>>
    %dma_wait3A_160 = arith.constant 0 : i32
    %dma_wait3A_161 = arith.constant 0 : i32
    %dma_wait3A_162 = tpu.memref_slice %arg7[%dma_wait3A_146, %dma_wait3A_160, %dma_wait3A_161] : memref<3x3x128xf32, #tpu.memory_space<hbm>> -> memref<1x3x128xf32, #tpu.memory_space<hbm>>
    %dma_wait3A_163 = tpu.memref_squeeze %dma_wait3A_162 : memref<1x3x128xf32, #tpu.memory_space<hbm>> -> memref<3x128xf32, #tpu.memory_space<hbm>>
    tpu.wait_dma2 semaphore(%arg14 : memref<!tpu.dma_semaphore, #tpu.memory_space<semaphore_mem>>) src(%dma_wait3A_163 : memref<3x128xf32, #tpu.memory_space<hbm>>) dst(%dma_wait3A_159 : memref<3x128xf32, #tpu.memory_space<vmem>>)
    %dma_wait3A_164 = arith.constant 0 : i32
    %dma_wait3A_165 = arith.constant 0 : i32
    %dma_wait3A_166 = arith.constant 0 : i32
    %dma_wait3A_167 = arith.constant 0 : i32
    %dma_wait3A_168 = tpu.memref_slice %arg16[%dma_wait3A_165, %dma_wait3A_166, %dma_wait3A_167] : memref<2x3x128xf32, #tpu.memory_space<vmem>> -> memref<1x3x128xf32, #tpu.memory_space<vmem>>
    %dma_wait3A_169 = tpu.memref_squeeze %dma_wait3A_168 : memref<1x3x128xf32, #tpu.memory_space<vmem>> -> memref<3x128xf32, #tpu.memory_space<vmem>>
    %dma_wait3A_170 = arith.constant 0 : i32
    %dma_wait3A_171 = arith.constant 0 : i32
    %dma_wait3A_172 = tpu.memref_slice %arg7[%dma_wait3A_164, %dma_wait3A_170, %dma_wait3A_171] : memref<3x3x128xf32, #tpu.memory_space<hbm>> -> memref<1x3x128xf32, #tpu.memory_space<hbm>>
    %dma_wait3A_173 = tpu.memref_squeeze %dma_wait3A_172 : memref<1x3x128xf32, #tpu.memory_space<hbm>> -> memref<3x128xf32, #tpu.memory_space<hbm>>
    %dma_wait3A_174 = arith.constant 0 : i32
    %dma_wait3A_175 = arith.constant 0 : i32
    %dma_wait3A_176 = tpu.memref_slice %arg16[%dma_wait3A_165, %dma_wait3A_174, %dma_wait3A_175] : memref<2x3x128xf32, #tpu.memory_space<vmem>> -> memref<1x3x128xf32, #tpu.memory_space<vmem>>
    %dma_wait3A_177 = tpu.memref_squeeze %dma_wait3A_176 : memref<1x3x128xf32, #tpu.memory_space<vmem>> -> memref<3x128xf32, #tpu.memory_space<vmem>>
    %dma_wait3A_178 = arith.constant 0 : i32
    %dma_wait3A_179 = arith.constant 0 : i32
    %dma_wait3A_180 = tpu.memref_slice %arg7[%dma_wait3A_164, %dma_wait3A_178, %dma_wait3A_179] : memref<3x3x128xf32, #tpu.memory_space<hbm>> -> memref<1x3x128xf32, #tpu.memory_space<hbm>>
    %dma_wait3A_181 = tpu.memref_squeeze %dma_wait3A_180 : memref<1x3x128xf32, #tpu.memory_space<hbm>> -> memref<3x128xf32, #tpu.memory_space<hbm>>
    tpu.wait_dma2 semaphore(%arg14 : memref<!tpu.dma_semaphore, #tpu.memory_space<semaphore_mem>>) src(%dma_wait3A_181 : memref<3x128xf32, #tpu.memory_space<hbm>>) dst(%dma_wait3A_177 : memref<3x128xf32, #tpu.memory_space<vmem>>)
    %barrier3A_182 = arith.constant 0 : index
    tpu.barrier barrier_id(%barrier3A_182)
    %mul3A_183 = arith.constant 6272 : i32
    %mul3A_184 = arith.muli %arg1, %mul3A_183 : i32
    "tpu.region"() ({
      %run_scoped3A_187 = tpu.sem_alloc : memref<!tpu.dma_semaphore, #tpu.memory_space<semaphore_mem>>
      %dma_start3A_188 = tpu.memref_slice %arg9[%mul3A_184] : memref<100352xf32, #tpu.memory_space<vmem_shared>> -> memref<6272xf32, #tpu.memory_space<vmem_shared>>
      %dma_start3A_189 = tpu.memref_slice %arg9[%mul3A_184] : memref<100352xf32, #tpu.memory_space<vmem_shared>> -> memref<6272xf32, #tpu.memory_space<vmem_shared>>
      tpu.enqueue_dma source(%dma_start3A_189 : memref<6272xf32, #tpu.memory_space<vmem_shared>>) target(%arg12 : memref<6272xf32, #tpu.memory_space<vmem>>) target_semaphore(%run_scoped3A_187 : memref<!tpu.dma_semaphore, #tpu.memory_space<semaphore_mem>>)
      %dma_wait3A_190 = tpu.memref_slice %arg9[%mul3A_184] : memref<100352xf32, #tpu.memory_space<vmem_shared>> -> memref<6272xf32, #tpu.memory_space<vmem_shared>>
      %dma_wait3A_191 = tpu.memref_slice %arg9[%mul3A_184] : memref<100352xf32, #tpu.memory_space<vmem_shared>> -> memref<6272xf32, #tpu.memory_space<vmem_shared>>
      tpu.wait_dma2 semaphore(%run_scoped3A_187 : memref<!tpu.dma_semaphore, #tpu.memory_space<semaphore_mem>>) src(%dma_wait3A_191 : memref<6272xf32, #tpu.memory_space<vmem_shared>>) dst(%arg12 : memref<6272xf32, #tpu.memory_space<vmem>>)
      tpu.yield
    }) : () -> ()
    %mul3A_185 = arith.constant 6272 : i32
    %mul3A_186 = arith.muli %arg1, %mul3A_185 : i32
    "tpu.region"() ({
      %run_scoped3A_187 = tpu.sem_alloc : memref<!tpu.dma_semaphore, #tpu.memory_space<semaphore_mem>>
      %dma_start3A_188 = tpu.memref_slice %arg8[%arg0, %mul3A_186] : memref<2x100352xf32, #tpu.memory_space<hbm>> -> memref<1x6272xf32, #tpu.memory_space<hbm>>
      %dma_start3A_189 = tpu.memref_squeeze %dma_start3A_188 : memref<1x6272xf32, #tpu.memory_space<hbm>> -> memref<6272xf32, #tpu.memory_space<hbm>>
      %dma_start3A_190 = tpu.memref_slice %arg8[%arg0, %mul3A_186] : memref<2x100352xf32, #tpu.memory_space<hbm>> -> memref<1x6272xf32, #tpu.memory_space<hbm>>
      %dma_start3A_191 = tpu.memref_squeeze %dma_start3A_190 : memref<1x6272xf32, #tpu.memory_space<hbm>> -> memref<6272xf32, #tpu.memory_space<hbm>>
      tpu.enqueue_dma source(%arg12 : memref<6272xf32, #tpu.memory_space<vmem>>) target(%dma_start3A_191 : memref<6272xf32, #tpu.memory_space<hbm>>) target_semaphore(%run_scoped3A_187 : memref<!tpu.dma_semaphore, #tpu.memory_space<semaphore_mem>>)
      %dma_wait3A_192 = tpu.memref_slice %arg8[%arg0, %mul3A_186] : memref<2x100352xf32, #tpu.memory_space<hbm>> -> memref<1x6272xf32, #tpu.memory_space<hbm>>
      %dma_wait3A_193 = tpu.memref_squeeze %dma_wait3A_192 : memref<1x6272xf32, #tpu.memory_space<hbm>> -> memref<6272xf32, #tpu.memory_space<hbm>>
      %dma_wait3A_194 = tpu.memref_slice %arg8[%arg0, %mul3A_186] : memref<2x100352xf32, #tpu.memory_space<hbm>> -> memref<1x6272xf32, #tpu.memory_space<hbm>>
      %dma_wait3A_195 = tpu.memref_squeeze %dma_wait3A_194 : memref<1x6272xf32, #tpu.memory_space<hbm>> -> memref<6272xf32, #tpu.memory_space<hbm>>
      tpu.wait_dma2 semaphore(%run_scoped3A_187 : memref<!tpu.dma_semaphore, #tpu.memory_space<semaphore_mem>>) src(%arg12 : memref<6272xf32, #tpu.memory_space<vmem>>) dst(%dma_wait3A_195 : memref<6272xf32, #tpu.memory_space<hbm>>)
      tpu.yield
    }) : () -> ()
    return
  }
}

</mosaic_0001>

<sc_bundles>
// kernel: kernel.3.cloned.1.call-start
scs
__scs_entry_jumppad:
0x0: {  	(pc) =	sbr.rel $0x88, $3  }
0x1: {  	(tag) =	ssettag $0x0;
	lr =	simm.s32 $0x1  }
0x2: {  	[smem:$0x3F9E] =	sst lr;
	_ =	strace $0xD0000000  }
0x3: {  	_ = 	snop  }
0x4: {  	_ = 	snop  }
0x5: {  	_ = 	snop  }
0x6: {  	_ = 	snop  }
0x7: {  	_ = 	snop  }
__scs_overlays_trampoline_lowered:
0x8: {  	[smem:$0x3FAD] =	sst s0  }
0x9: {  	[smem:$0x3FAE] =	sst s1  }
0xa: {  	[smem:$0x3FAF] =	sst s2  }
0xb: {  	[smem:$0x3FB0] =	sst s3  }
0xc: {  	[smem:$0x3FB1] =	sst s4  }
0xd: {  	[smem:$0x3FB2] =	sst s5  }
0xe: {  	[smem:$0x3FB3] =	sst s6  }
0xf: {  	[smem:$0x3FB4] =	sst s7  }
0x10: {  	[smem:$0x3FB5] =	sst s8  }
0x11: {  	[smem:$0x3FB6] =	sst s9;
	s0 =	simm.s32 @!p0 $0x0  }
0x12: {  	s1 =	sld [smem:$0x3F9C];
	s0 =	simm.s32 @p0 $0x1  }
0x13: {  	[smem:$0x3FB7] =	sst s0;
	s0 =	simm.s32 @!p1 $0x0  }
0x14: {  	s2 =	sld [smem:$0x3F9B];
	s0 =	simm.s32 @p1 $0x1  }
0x15: {  	[smem:$0x3FB8] =	sst s0;
	s0 =	simm.s32 @!p2 $0x0  }
0x16: {  	s3 =	sld [smem:$0x3FDB];
	s0 =	simm.s32 @p2 $0x1  }
0x17: {  	s4 =	simm.s32 $0x1BF5;
	[smem:$0x3FBA] =	sst s0  }
0x18: {  	s0 =	sld [smem:$0x3F9D];
	_ =	swait.ge [sflag:s4], $0x0  }
0x19: {  	s7 =	sld [smem:$0x3F9E]  }
0x1a: {  	s8 =	sadd.s32 $0xFFFFE003, lr  }
0x1b: {  	s9 =	sadd.s32 $0xFFFFFEF7, lr;
	s5 =	simm.s32 $0xFFFFFFFF;
	p2 =	slt.u32 s8, $0xFFFFF086  }
0x1c: {  	p1 =	slt.u32 s9, $0xF7A;
	s5 =	simm.s32 @!p2 $0x0  }
0x1d: {  	s5 =	simm.s32 @p1 $0x1;
	p0 =	seq.s32 s7, s2  }
0x1e: {  	s7 =	smul.u32 @!p0 $0xF7A, s2;
	p2 =	seq.s32 @!p0 s5, $0x0  }
0x1f: {  	s9 =	smul.u32 $0xF7A, s1;
	s8 =	simm.s32 @!p0 $0x1BF5;
	p2 =	por !p2, p0  }
0x20: {  	[sflag:s8] =	ssyncset.s32 @!p0 $0xFFFFF086;
	s6 =	sadd.s32 @!p0 s3, s7;
	s7 =	simm.s32 @!p0 $0x108  }
0x21: {  	s3 =	sadd.s32 s3, s9;
	s6 =	sadd.s32 @!p0 $0x88, s6;
	s7 =	simm.s32 @p2 $0x1082  }
0x22: {  	[simem:s7], [sflag:s8] =	dma.local @!p0 [hbm:s6], $0xF7A  }
0x23: {  	s9 =	sor.u32 $0xD0000000, s2;
	s6 =	simm.s32 $0x108;
	_ =	swait.ge @!p0 [sflag:s8], $0x0  }
0x24: {  	s3 =	sadd.s32 $0x88, s3;
	s6 =	simm.s32 @!p1 $0x1082;
	[sflag:s4] =	ssyncset.s32 $0xFFFFF086  }
0x25: {  	[simem:s6], [sflag:s4] =	dma.local [hbm:s3], $0xF7A  }
0x26: {  	[smem:$0x3F9E] =	sst s1;
	(tag) =	ssettag s2;
	_ =	strace s9  }
0x27: {  	s1 =	sld [smem:$0x3FAE]  }
0x28: {  	s2 =	sld [smem:$0x3FAF]  }
0x29: {  	s4 =	sld [smem:$0x3FB1]  }
0x2a: {  	p0 =	seq.s32 s5, $0x0;
	s5 =	sld [smem:$0x3FB2]  }
0x2b: {  	s6 =	sld [smem:$0x3FB3]  }
0x2c: {  	s7 =	sld [smem:$0x3FB4]  }
0x2d: {  	s3 =	simm.s32 $0x108;
	s8 =	sld [smem:$0x3FB5]  }
0x2e: {  	s3 =	simm.s32 @!p0 $0x1082;
	s9 =	sld [smem:$0x3FB6]  }
0x2f: {  	lr =	sadd.s32 s0, s3;
	s0 =	sld [smem:$0x3FAD]  }
0x30: {  	s3 =	sld [smem:$0x3FB0]  }
0x31: {  	[smem:$0x3FB9] =	sst s10  }
0x32: {  	s10 =	sld [smem:$0x3FB7];
	_ =	sdelay $0x3  }
0x33: {  	p0 =	seq.s32 s10, $0x1;
	s10 =	sld [smem:$0x3FB9];
	_ =	sdelay $0x3  }
0x34: {  	[smem:$0x3FB9] =	sst s10  }
0x35: {  	s10 =	sld [smem:$0x3FB8];
	_ =	sdelay $0x3  }
0x36: {  	p1 =	seq.s32 s10, $0x1;
	s10 =	sld [smem:$0x3FB9];
	_ =	sdelay $0x3  }
0x37: {  	[smem:$0x3FB9] =	sst s10  }
0x38: {  	s10 =	sld [smem:$0x3FBA]  }
0x39: {  	_ = 	snop;
	(pc) =	sbr.ind lr, $3  }
0x3a: {  	_ = 	snop  }
0x3b: {  	_ = 	snop  }
0x3c: {  	p2 =	seq.s32 s10, $0x1;
	s10 =	sld [smem:$0x3FB9]  }
0x3d: {  	_ =	shalt  }
0x3e: {  	_ =	shalt  }
0x3f: {  	_ =	shalt  }
0x40: {  	_ =	shalt  }
0x41: {  	_ =	shalt  }
0x42: {  	_ =	shalt  }
0x43: {  	_ =	shalt  }
0x44: {  	_ =	shalt  }
0x45: {  	_ =	shalt  }
0x46: {  	_ =	shalt  }
0x47: {  	_ =	shalt  }
0x48: {  	_ =	shalt  }
0x49: {  	_ =	shalt  }
0x4a: {  	_ =	shalt  }
0x4b: {  	_ =	shalt  }
0x4c: {  	_ =	shalt  }
0x4d: {  	_ =	shalt  }
0x4e: {  	_ =	shalt  }
0x4f: {  	_ =	shalt  }
0x50: {  	_ =	shalt  }
0x51: {  	_ =	shalt  }
0x52: {  	_ =	shalt  }
0x53: {  	_ =	shalt  }
0x54: {  	_ =	shalt  }
0x55: {  	_ =	shalt  }
0x56: {  	_ =	shalt  }
0x57: {  	_ =	shalt  }
0x58: {  	_ =	shalt  }
0x59: {  	_ =	shalt  }
0x5a: {  	_ =	shalt  }
0x5b: {  	_ =	shalt  }
0x5c: {  	_ =	shalt  }
0x5d: {  	_ =	shalt  }
0x5e: {  	_ =	shalt  }
0x5f: {  	_ =	shalt  }
0x60: {  	_ =	shalt  }
0x61: {  	_ =	shalt  }
0x62: {  	_ =	shalt  }
0x63: {  	_ =	shalt  }
0x64: {  	_ =	shalt  }
0x65: {  	_ =	shalt  }
0x66: {  	_ =	shalt  }
0x67: {  	_ =	shalt  }
0x68: {  	_ =	shalt  }
0x69: {  	_ =	shalt  }
0x6a: {  	_ =	shalt  }
0x6b: {  	_ =	shalt  }
0x6c: {  	_ =	shalt  }
0x6d: {  	_ =	shalt  }
0x6e: {  	_ =	shalt  }
0x6f: {  	_ =	shalt  }
0x70: {  	_ =	shalt  }
0x71: {  	_ =	shalt  }
0x72: {  	_ =	shalt  }
0x73: {  	_ =	shalt  }
0x74: {  	_ =	shalt  }
0x75: {  	_ =	shalt  }
0x76: {  	_ =	shalt  }
0x77: {  	_ =	shalt  }
0x78: {  	_ =	shalt  }
0x79: {  	_ =	shalt  }
0x7a: {  	_ =	shalt  }
0x7b: {  	_ =	shalt  }
0x7c: {  	_ =	shalt  }
0x7d: {  	_ =	shalt  }
0x7e: {  	_ =	shalt  }
0x7f: {  	_ =	shalt  }
0x80: {  	_ =	shalt  }
0x81: {  	_ =	shalt  }
0x82: {  	_ =	shalt  }
0x83: {  	_ =	shalt  }
0x84: {  	_ =	shalt  }
0x85: {  	_ =	shalt  }
0x86: {  	_ =	shalt  }
0x87: {  	_ =	shalt  }
.Lfunc_end0:
.L_simem_size_0:
called_computation_lowered:
.L_overlay_start_0:
0x88: {  	s2 =	sld [smem:$0x3FD9]  }
0x89: {  	s3 =	sld [smem:$0x3FFE];
	_ =	sdelay $0x1  }
0x8a: {  	s1 =	srdreg.scid  }
0x8b: {  	s0 =	sand.u32 $0x1, s1  }
0x8c: {  	s17 =	sshll.u32 s0, $0xA;
	s2 =	sadd.s32 s3, s2  }
0x8d: {  	s2 =	sadd.s32 s2, s17  }
0x8e: {  	[smem:$0x3FC5] =	sst s2  }
0x8f: {  	_ = 	snop  }
0x90: {  	s2 =	sld [smem:$0x3FD0];
	(tm) =	ssettm $0x1  }
0x91: {  	s18 =	sld [smem:$0x3FFB];
	_ =	sdelay $0x3  }
0x92: {  	_ =	strace s18  }
0x93: {  	s3 =	sld [smem:$0x3FFC];
	_ =	sdelay $0x3  }
0x94: {  	_ =	strace s3  }
0x95: {  	s3 =	sld [smem:$0x3FFD];
	_ =	sdelay $0x3  }
0x96: {  	_ =	strace s3  }
0x97: {  	_ =	strace $0x8FFFFFFF  }
0x98: {  	s19 =	sld [smem:$0x3FDB];
	_ =	sdelay $0x1  }
0x99: {  	s4 =	simm.s32 $_scs_section_size  }
0x9a: {  	s5 =	simm.s32 $_size__tile_overlayer_lowered;
	s6 =	simm.s32 $_tile_overlayer_lowered  }
0x9b: {  	s22 =	simm.s32 $0x1BFF;
	s21 =	sshll.u32 s6, $0x1;
	s3 =	sadd.s32 s4, s19  }
0x9c: {  	s7 =	simm.s32 $0x0;
	s20 =	sshll.u32 s5, $0x1;
	s5 =	sadd.s32 s21, s3  }
0x9d: {  	[timem:s7], [sflag:s22] =	dma.local [hbm:s5], s20  }
0x9e: {  	_ =	swait.ge [sflag:s22], s20  }
0x9f: {  	s4 =	ssub.s32 $0x0, s20;
	[sflag:s22] =	ssyncset.done $0x0  }
0xa0: {  	[sflag:s22] =	ssyncadd.s32 s4;
	_ =	sdelay $0x1  }
0xa1: {  	s23 =	simm.s32 $0x1B8B  }
0xa2: {  	_ =	swait.ge [sflag:s23], $0x1  }
0xa3: {  	[sflag:s23] =	ssyncset.done $0x0  }
0xa4: {  	s25 =	simm.s32 $0x1B8E;
	s24 =	sld [smem:$0x3FFE];
	[sflag:s23] =	ssyncadd.s32 $0xFFFFFFFF  }
0xa5: {  	s26 =	simm.s32 $execute0_lowered;
	[smem:$0x3FD2] =	sst s25  }
0xa6: {  	s5 =	sshll.u32 s26, $0x1;
	_ =	strace $0x80000046;
	[dreg:$0x1] =	wrdreg $0xFFFFFFFF  }
0xa7: {  	s28 =	simm.s32 $_size_execute0_lowered;
	s3 =	sadd.s32 s3, s5;
	[dreg:$0x0] =	wrdreg $0x0  }
0xa8: {  	s5 =	sshll.u32 s28, $0x1;
	[dreg:$0x2] =	wrdreg s3  }
0xa9: {  	[dreg:$0x3] =	wrdreg s5  }
0xaa: {  	[dreg:$0x4] =	wrdreg $0xC0  }
0xab: {  	_ =	task [dreg:s7], $0x5FFFF  }
0xac: {  	[dreg:$0x1] =	wrdreg $0xFFFFFFFF  }
0xad: {  	[dreg:$0x0] =	wrdreg $0x60  }
0xae: {  	[dreg:$0x2] =	wrdreg s2  }
0xaf: {  	[dreg:$0x3] =	wrdreg s24  }
0xb0: {  	[dreg:$0x4] =	wrdreg $0xAD800  }
0xb1: {  	[dreg:$0x5] =	wrdreg $0xC6000  }
0xb2: {  	[dreg:$0x6] =	wrdreg $0x91000  }
0xb3: {  	[dreg:$0x7] =	wrdreg $0x0  }
0xb4: {  	[dreg:$0x8] =	wrdreg $0x9  }
0xb5: {  	_ =	task.clear_ibuf [dreg:s7], $0x9FFFF;
	_ =	strace $0x90000046  }
0xb6: {  	s29 =	simm.s32 $0x9;
	_ =	strace $0x80000048  }
0xb7: {  	_ =	swait.ge [sflag:s29], $0x1  }
0xb8: {  	[sflag:s29] =	ssyncadd.s32 $0xFFFFFFFF  }
0xb9: {  	_ =	strace $0x90000048  }
0xba: {  	_ =	sfence  }
0xbb: {  	s30 =	sld [smem:$0x0];
	_ =	sdelay $0x2  }
0xbc: {  	s31 =	sshll.u32 s1, $0xD;
	s1 =	sshrl.u32 s1, $0x2  }
0xbd: {  	s3 =	sand.u32 $0x4000, s31;
	s1 =	sadd.s32 s1, s30  }
0xbe: {  	s0 =	sor.u32 s3, s0;
	s1 =	sshll.u32 s1, $0x11  }
0xbf: {  	s0 =	sor.u32 s1, s0  }
0xc0: {  	s0 =	sadd.s32 $0x8F2B, s0  }
0xc1: {  	[sflag:s0] =	ssyncadd.remote.s32 $0x1  }
0xc2: {  	_ =	sfence.sel $0xFFFF  }
0xc3: {  	[dreg:$0x0] =	wrdreg $0xFFFFFFFF;
	(pc) =	sbr.abs _section_cstart, $3  }
0xc4: {  	[dreg:$0x1] =	wrdreg $0xFFFFFFFF  }
0xc5: {  	_ =	task.clear_ibuf [dreg:s7], $0x2FFFF;
	_ =	strace $0x9FFFFFFF  }
0xc6: {  	(tm) =	ssettm $0x7FFFFFFF  }
0xc7: {  	_ =	shalt  }
tec
execute0_lowered:
.L_overlay_start_1:
0x0: {  	(tag) =	ssettag $0x1  }
0x1: {  	s0 =	rddreg [dreg:$0x0]  }
0x2: {  	s3 =	rddreg [dreg:$0x1]  }
0x3: {  	s1 =	rddreg [dreg:$0x2]  }
0x4: {  	s4 =	srdreg.scid;
	s13 =	stileid.u32  }
0x5: {  	s2 =	rddreg [dreg:$0x3];
	s18 =	simm.s32 $0x2480;
	s19 =	simm.s32 $0x3  }
0x6: {  	s20 =	simm.s32 $0x4080;
	s30 =	simm.s32 $0x1;
	s31 =	simm.s32 $0x2  }
0x7: {  	s28 =	simm.s32 $0x0;
	s7 =	sand.u32 $0x1, s4;
	s5 =	sshll.u32 s13, $0x1  }
0x8: {  	s4 =	rddreg [dreg:$0x4];
	s9 =	smul.u32 $0x3100, s13;
	s11 =	sadd.s32 $0x1B400, s3  }
0x9: {  	s14 =	smul.u32 $0x1880, s13;
	s6 =	sor.u32 s7, s5;
	s5 =	rddreg [dreg:$0x5]  }
0xa: {  	s10 =	sshll.u32 s7, $0x7;
	s21 =	ssub.s32 $0x2, s7;
	s7 =	smul.u32 $0x1880, s7  }
0xb: {  	s8 =	smul.u32 $0x1C00, s6;
	s6 =	simm.s32 $0x0;
	s10 =	sor.u32 s10, s9  }
0xc: {  	s12 =	sshrl.u32 s21, $0x1;
	s24 =	sshrl.u32 s14, $0x3;
	s17 =	sadd.s32 s14, s1  }
0xd: {  	s25 =	sadd.s32 s14, s2;
	s29 =	sadd.s32 s14, s4;
	s14 =	sadd.s32 s14, s5  }
0xe: {  	[smem:$0x7FF] =	sst s6;
	s10 =	sshrl.u32 s10, $0x3;
	s16 =	ssub.s32 s21, s12  }
0xf: {  	s0 =	sadd.s32 s0, s24;
	s12 =	sadd.s32 s3, s24;
	s26 =	sadd.s32 s7, s9  }
0x10: {  	s21 =	simm.s32 $0x5C80;
	s24 =	sshrl.u32 s29, $0x3;
	s8 =	sshrl.u32 s8, $0x3  }
0x11: {  	_ =	strace $0x80000047;
	[dreg:$0x7] =	wrdreg s11;
	s8 =	sadd.s32 s8, s3  }
0x12: {  	v0 =	vlaneseq.u32;
	s15 =	sadd.s32 s10, s3;
	[dreg:$0xb] =	wrdreg s0;
	s22 =	sadd.s32 $0x3200, s8  }
0x13: {  	v3 =	vmul.u32 $0xFFFFFFFF, v0;
	s13 =	sadd.s32 $0x18200, s12;
	s23 =	sadd.s32 $0xA200, s8;
	[dreg:$0x8] =	wrdreg s22  }
0x14: {  	s16 =	smax.u32 s16, $0x1;
	s8 =	sadd.s32 $0x11200, s8;
	[dreg:$0x9] =	wrdreg s23  }
0x15: {  	v0 =	vadd.s32 $0x30D00, v3;
	s15 =	sadd.s32 $0x1BA00, s15;
	s3 =	simm.s32 $0x7880;
	[dreg:$0xa] =	wrdreg s8  }
0x16: {  	v1 =	vadd.s32 $0x30CF0, v3;
	v2 =	vadd.s32 $0x30CE0, v3;
	v3 =	vadd.s32 $0x30CD0, v3;
	s22 =	sshrl.u32 s17, $0x3;
	s23 =	sshrl.u32 s25, $0x3;
	s25 =	simm.s32 $0x80  }
.LBB2_1:
0x17: {  	s0 =	rddreg [dreg:$0x8]  }
0x18: {  	[tilespmem:s18], [sflag:$0x3] =	stream.linear.gather [hbm4b:s0+s6], $0x1900, $0x38;
	[tilespmem:$0xDE80] =	vst v63  }
0x19: {  	_ =	swait.ge [sflag:s19], $0x1900  }
0x1a: {  	[sflag:s19] =	ssyncset.done $0x0  }
0x1b: {  	s17 =	rddreg [dreg:$0x9];
	[sflag:s19] =	ssyncadd.s32 $0xFFFFE700  }
0x1c: {  	[tilespmem:s20], [sflag:$0x3] =	stream.linear.gather [hbm4b:s17+s6], $0x1900, $0x38;
	[tilespmem:$0xDE80] =	vst v63  }
0x1d: {  	_ =	swait.ge [sflag:s19], $0x1900  }
0x1e: {  	[sflag:s19] =	ssyncset.done $0x0  }
0x1f: {  	s7 =	rddreg [dreg:$0xa];
	[sflag:s19] =	ssyncadd.s32 $0xFFFFE700  }
0x20: {  	[tilespmem:s21], [sflag:$0x3] =	stream.linear.gather [hbm4b:s7+s6], $0x1900, $0x38;
	[tilespmem:$0xDE80] =	vst v63  }
0x21: {  	s8 =	stileid.u32;
	_ =	swait.ge [sflag:s19], $0x1900  }
0x22: {  	s0 =	sshll.u32 s8, $0x6;
	[sflag:s19] =	ssyncset.done $0x0  }
0x23: {  	s0 =	sor.u32 $0x1C03, s0;
	s7 =	rddreg [dreg:$0xb];
	[sflag:s19] =	ssyncadd.s32 $0xFFFFE700  }
0x24: {  	[spmem:s22], [sflag:s0] =	dma.local [hbm:s7], $0x310  }
0x25: {  	_ =	swait.ge [sflag:s19], $0x310  }
0x26: {  	[sflag:s19] =	ssyncset.done $0x0  }
0x27: {  	[sflag:s19] =	ssyncadd.s32 $0xFFFFFCF0  }
0x28: {  	[spmem:s23], [sflag:s0] =	dma.local [hbm:s12], $0x310  }
0x29: {  	_ =	swait.ge [sflag:s19], $0x310  }
0x2a: {  	[sflag:s19] =	ssyncset.done $0x0  }
0x2b: {  	[sflag:s19] =	ssyncadd.s32 $0xFFFFFCF0  }
0x2c: {  	[spmem:s24], [sflag:s0] =	dma.local [hbm:s13], $0x310  }
0x2d: {  	_ =	swait.ge [sflag:s19], $0x310  }
0x2e: {  	[sflag:s19] =	ssyncset.done $0x0  }
0x2f: {  	s9 =	sshrl.u32 s14, $0x3;
	s8 =	rddreg [dreg:$0x7];
	[sflag:s19] =	ssyncadd.s32 $0xFFFFFCF0  }
0x30: {  	[spmem:s9], [sflag:s0] =	dma.local [hbm:s8], $0x310  }
0x31: {  	_ =	swait.ge [sflag:s19], $0x310  }
0x32: {  	[sflag:s19] =	ssyncset.done $0x0  }
0x33: {  	[sflag:s19] =	ssyncadd.s32 $0xFFFFFCF0  }
0x34: {  	s10 =	simm.s32 $0x1880;
	[bflag:$0x0] =	sbarrier.arrive $0xFFFF  }
0x35: {  	[tilespmem:s10], [sflag:$0x1] =	stream.indirect.gather [spmem:s1], $0x1, s18, s25, $0xb8;
	[tilespmem:$0xDE80] =	vst v63  }
0x36: {  	s11 =	simm.s32 $0x1900  }
0x37: {  	[tilespmem:s11], [sflag:$0x1] =	stream.indirect.gather [spmem:s2], $0x1, s18, s25, $0xb8;
	[tilespmem:$0xDE80] =	vst v63  }
0x38: {  	s17 =	simm.s32 $0x1980  }
0x39: {  	[tilespmem:s17], [sflag:$0x1] =	stream.indirect.gather [spmem:s4], $0x1, s18, s25, $0xb8;
	[tilespmem:$0xDE80] =	vst v63  }
0x3a: {  	s7 =	simm.s32 $0x1A80  }
0x3b: {  	[tilespmem:s7], [sflag:$0x1] =	stream.indirect.gather [spmem:s1], $0x1, s20, s25, $0xb8;
	[tilespmem:$0xDE80] =	vst v63  }
0x3c: {  	s8 =	simm.s32 $0x1B00  }
0x3d: {  	[tilespmem:s8], [sflag:$0x1] =	stream.indirect.gather [spmem:s2], $0x1, s20, s25, $0xb8;
	[tilespmem:$0xDE80] =	vst v63  }
0x3e: {  	s9 =	simm.s32 $0x1B80  }
0x3f: {  	[tilespmem:s9], [sflag:$0x1] =	stream.indirect.gather [spmem:s4], $0x1, s20, s25, $0xb8;
	[tilespmem:$0xDE80] =	vst v63  }
0x40: {  	s10 =	simm.s32 $0x1C80  }
0x41: {  	[tilespmem:s10], [sflag:$0x1] =	stream.indirect.gather [spmem:s1], $0x1, s21, s25, $0xb8;
	[tilespmem:$0xDE80] =	vst v63  }
0x42: {  	s11 =	simm.s32 $0x1D00  }
0x43: {  	[tilespmem:s11], [sflag:$0x1] =	stream.indirect.gather [spmem:s2], $0x1, s21, s25, $0xb8;
	[tilespmem:$0xDE80] =	vst v63  }
0x44: {  	s17 =	simm.s32 $0x1D80  }
0x45: {  	[tilespmem:s17], [sflag:$0x1] =	stream.indirect.gather [spmem:s4], $0x1, s21, s25, $0xb8;
	[tilespmem:$0xDE80] =	vst v63  }
0x46: {  	s29 =	simm.s32 $0x0;
	s0 =	simm.s32 $0x0;
	s17 =	smov.u32 s26  }
.LBB2_2:
0x47: {  	s9 =	sand.u32 $0x1, s0  }
0x48: {  	s7 =	sxor.u32 $0x1, s9  }
0x49: {  	s7 =	smul.u32 $0x1800, s7  }
0x4a: {  	_ =	swait.ge [sflag:s30], $0x480  }
0x4b: {  	[sflag:s30] =	ssyncset.done $0x0;
	s8 =	sshrl.u32 s7, $0x2;
	s7 =	sshra.s32 s29, $0x2  }
0x4c: {  	[sflag:s30] =	ssyncadd.s32 $0xFFFFFB80;
	s10 =	sor.u32 $0x1880, s8;
	s11 =	sadd.s32 $0x2500, s7  }
0x4d: {  	[tilespmem:s10], [sflag:$0x1] =	stream.indirect.gather [spmem:s1], $0x1, s11, s25, $0xb8;
	[tilespmem:$0xDE80] =	vst v63  }
0x4e: {  	s10 =	sor.u32 $0x1900, s8  }
0x4f: {  	[tilespmem:s10], [sflag:$0x1] =	stream.indirect.gather [spmem:s2], $0x1, s11, s25, $0xb8;
	[tilespmem:$0xDE80] =	vst v63  }
0x50: {  	s10 =	sor.u32 $0x1980, s8  }
0x51: {  	[tilespmem:s10], [sflag:$0x1] =	stream.indirect.gather [spmem:s4], $0x1, s11, s25, $0xb8;
	[tilespmem:$0xDE80] =	vst v63  }
0x52: {  	s10 =	sadd.s32 $0x1A80, s8;
	s11 =	sadd.s32 $0x4100, s7  }
0x53: {  	[tilespmem:s10], [sflag:$0x1] =	stream.indirect.gather [spmem:s1], $0x1, s11, s25, $0xb8;
	[tilespmem:$0xDE80] =	vst v63  }
0x54: {  	s10 =	sadd.s32 $0x1B00, s8  }
0x55: {  	[tilespmem:s10], [sflag:$0x1] =	stream.indirect.gather [spmem:s2], $0x1, s11, s25, $0xb8;
	[tilespmem:$0xDE80] =	vst v63  }
0x56: {  	s10 =	sadd.s32 $0x1B80, s8  }
0x57: {  	[tilespmem:s10], [sflag:$0x1] =	stream.indirect.gather [spmem:s4], $0x1, s11, s25, $0xb8;
	[tilespmem:$0xDE80] =	vst v63  }
0x58: {  	s10 =	sadd.s32 $0x1C80, s8;
	s11 =	sadd.s32 $0x5D00, s7  }
0x59: {  	[tilespmem:s10], [sflag:$0x1] =	stream.indirect.gather [spmem:s1], $0x1, s11, s25, $0xb8;
	[tilespmem:$0xDE80] =	vst v63  }
0x5a: {  	s10 =	sadd.s32 $0x1D00, s8  }
0x5b: {  	[tilespmem:s10], [sflag:$0x1] =	stream.indirect.gather [spmem:s2], $0x1, s11, s25, $0xb8;
	[tilespmem:$0xDE80] =	vst v63  }
0x5c: {  	p0 =	slt.u32 s0, $0x2;
	s8 =	sadd.s32 $0x1D80, s8  }
0x5d: {  	[tilespmem:s8], [sflag:$0x1] =	stream.indirect.gather [spmem:s4], $0x1, s11, s25, $0xb8;
	[tilespmem:$0xDE80] =	vst v63  }
0x5e: {  	s8 =	simm.s32 @!p0 $0x2  }
0x5f: {  	s11 =	smul.u32 $0x1800, s9;
	_ =	swait.ge @!p0 [sflag:s8], $0x180  }
0x60: {  	[sflag:s8] =	ssyncset.done @!p0 $0x0  }
0x61: {  	s11 =	sshrl.u32 s11, $0x2;
	[sflag:s8] =	ssyncadd.s32 @!p0 $0xFFFFFE80  }
0x62: {  	v4 =	vld [tilespmem:s11+$0x1880]  }
0x63: {  	v5 =	vld [tilespmem:s11+$0x1900]  }
0x64: {  	v6 =	vld [tilespmem:s11+$0x1A80]  }
0x65: {  	v7 =	vld [tilespmem:s11+$0x1B00]  }
0x66: {  	v8 =	vld [tilespmem:s11+$0x1D00]  }
0x67: {  	v9 =	vld [tilespmem:s11+$0x1C80];
	_ =	sdelay $0x3  }
0x68: {  	v10 =	vsub.f32 v8, v5;
	v5 =	vsub.f32 v5, v7  }
0x69: {  	v11 =	vsub.f32 v4, v9;
	v4 =	vsub.f32 v6, v4;
	_ =	sdelay $0x1  }
0x6a: {  	v12 =	vmul.f32 v10, v4;
	v13 =	vmul.f32 v11, v5;
	_ =	sdelay $0x1  }
0x6b: {  	v12 =	vsub.f32 v12, v13;
	_ =	sdelay $0x1  }
0x6c: {  	v13 =	vand.u32 $0x7FFFFFFF, v12  }
0x6d: {  	v14 =	vld [tilespmem:s11+$0x1980];
	(erf) = vrcp.f32 v13  }
0x6e: {  	v34 =	vld [tilespmem:s11+$0x1B80];
	_ =	sdelay $0x1  }
0x6f: {  	v15 =	vld [tilespmem:s11+$0x1D80]  }
0x70: {  	v7 =	vsub.f32 v7, v8  }
0x71: {  	v6 =	vsub.f32 v9, v6  }
0x72: {  	v8 =	vmul.f32 v7, v14;
	v35 =	vmul.f32 v10, v34  }
0x73: {  	v14 =	vmul.f32 v6, v14;
	v13 =	vmul.f32 v11, v34  }
0x74: {  	v16 =	vmul.f32 v15, v5  }
0x75: {  	v37 =	vmul.f32 v15, v4;
	v8 =	vadd.f32 v35, v8;
	v13 =	vadd.f32 v13, v14;
	v36 =	vpop (erf)  }
0x76: {  	v9 =	vmul.f32 $5.000000000e-01, v36  }
0x77: {  	vm0 =	veq.f32 v12, $0.0e+00;
	v8 =	vadd.f32 v8, v16;
	v38 =	vadd.f32 v37, v13  }
0x78: {  	v9 =	vsel vm0, $0x7FC00000, v9  }
0x79: {  	v8 =	vmul.f32 v9, v8;
	v9 =	vmul.f32 v9, v38;
	_ =	sdelay $0x1  }
0x7a: {  	v7 =	vmul.f32 v8, v7;
	v6 =	vmul.f32 v9, v6  }
0x7b: {  	v10 =	vmul.f32 v8, v10;
	v11 =	vmul.f32 v9, v11  }
0x7c: {  	v5 =	vmul.f32 v8, v5;
	v4 =	vmul.f32 v9, v4;
	v6 =	vadd.f32 v6, v7  }
0x7d: {  	v39 =	vadd.f32 v11, v10  }
0x7e: {  	v5 =	vadd.f32 v4, v5;
	v4 =	vmov s17;
	v6 =	vsub.f32 $0.0e+00, v6  }
0x7f: {  	vm5 =	vlt.u32 v4, $0x30D40;
	v7 =	vsub.f32 $0.0e+00, v39  }
0x80: {  	s9 =	sshll.u32 s9, $0x9;
	v5 =	vsub.f32 $0.0e+00, v5;
	v6 =	vnsel vm5, $0x0, v6  }
0x81: {  	v7 =	vnsel vm5, $0x0, v7;
	[tilespmem:s9+$0xA980] =	vst v6  }
0x82: {  	v5 =	vnsel vm5, $0x0, v5;
	[tilespmem:s9+$0xAA00] =	vst v7  }
0x83: {  	[tilespmem:s9+$0xAA80] =	vst v5  }
0x84: {  	v5 =	vld [tilespmem:s11+$0x1890]  }
0x85: {  	v6 =	vld [tilespmem:s11+$0x1910]  }
0x86: {  	v7 =	vld [tilespmem:s11+$0x1A90]  }
0x87: {  	v40 =	vld [tilespmem:s11+$0x1B10]  }
0x88: {  	v41 =	vld [tilespmem:s11+$0x1D10]  }
0x89: {  	v42 =	vld [tilespmem:s11+$0x1C90];
	_ =	sdelay $0x3  }
0x8a: {  	v43 =	vsub.f32 v41, v6;
	v6 =	vsub.f32 v6, v40  }
0x8b: {  	v44 =	vsub.f32 v5, v42;
	v5 =	vsub.f32 v7, v5;
	_ =	sdelay $0x1  }
0x8c: {  	v45 =	vmul.f32 v43, v5;
	v46 =	vmul.f32 v44, v6;
	_ =	sdelay $0x1  }
0x8d: {  	v13 =	vsub.f32 v45, v46;
	_ =	sdelay $0x1  }
0x8e: {  	v14 =	vand.u32 $0x7FFFFFFF, v13  }
0x8f: {  	v47 =	vld [tilespmem:s11+$0x1990];
	(erf) = vrcp.f32 v14  }
0x90: {  	v48 =	vld [tilespmem:s11+$0x1B90];
	_ =	sdelay $0x1  }
0x91: {  	v49 =	vld [tilespmem:s11+$0x1D90]  }
0x92: {  	v8 =	vsub.f32 v40, v41  }
0x93: {  	v7 =	vsub.f32 v42, v7  }
0x94: {  	v9 =	vmul.f32 v8, v47;
	v50 =	vmul.f32 v43, v48  }
0x95: {  	v15 =	vmul.f32 v7, v47;
	v14 =	vmul.f32 v44, v48  }
0x96: {  	v52 =	vmul.f32 v49, v6  }
0x97: {  	v16 =	vmul.f32 v49, v5;
	v9 =	vadd.f32 v50, v9;
	v14 =	vadd.f32 v14, v15;
	v51 =	vpop (erf)  }
0x98: {  	v10 =	vmul.f32 $5.000000000e-01, v51  }
0x99: {  	vm1 =	veq.f32 v13, $0.0e+00;
	v9 =	vadd.f32 v9, v52;
	v53 =	vadd.f32 v16, v14  }
0x9a: {  	v10 =	vsel vm1, $0x7FC00000, v10  }
0x9b: {  	v9 =	vmul.f32 v10, v9;
	v10 =	vmul.f32 v10, v53;
	_ =	sdelay $0x1  }
0x9c: {  	v8 =	vmul.f32 v9, v8;
	v7 =	vmul.f32 v10, v7  }
0x9d: {  	v11 =	vmul.f32 v9, v43;
	v12 =	vmul.f32 v10, v44  }
0x9e: {  	v6 =	vmul.f32 v9, v6;
	v5 =	vmul.f32 v10, v5;
	v7 =	vadd.f32 v7, v8  }
0x9f: {  	v54 =	vadd.f32 v12, v11  }
0xa0: {  	v5 =	vadd.f32 v5, v6;
	v7 =	vsub.f32 $0.0e+00, v7  }
0xa1: {  	v55 =	vsub.f32 $0.0e+00, v54  }
0xa2: {  	v5 =	vsub.f32 $0.0e+00, v5;
	v7 =	vnsel vm5, $0x0, v7  }
0xa3: {  	v6 =	vnsel vm5, $0x0, v55;
	[tilespmem:s9+$0xA990] =	vst v7  }
0xa4: {  	v5 =	vnsel vm5, $0x0, v5;
	[tilespmem:s9+$0xAA10] =	vst v6  }
0xa5: {  	[tilespmem:s9+$0xAA90] =	vst v5  }
0xa6: {  	v5 =	vld [tilespmem:s11+$0x18A0]  }
0xa7: {  	v6 =	vld [tilespmem:s11+$0x1920]  }
0xa8: {  	v7 =	vld [tilespmem:s11+$0x1AA0]  }
0xa9: {  	v56 =	vld [tilespmem:s11+$0x1B20]  }
0xaa: {  	v57 =	vld [tilespmem:s11+$0x1D20]  }
0xab: {  	v58 =	vld [tilespmem:s11+$0x1CA0];
	_ =	sdelay $0x3  }
0xac: {  	v59 =	vsub.f32 v57, v6;
	v6 =	vsub.f32 v6, v56  }
0xad: {  	v60 =	vsub.f32 v5, v58;
	v5 =	vsub.f32 v7, v5;
	_ =	sdelay $0x1  }
0xae: {  	v61 =	vmul.f32 v59, v5;
	v62 =	vmul.f32 v60, v6;
	_ =	sdelay $0x1  }
0xaf: {  	v13 =	vsub.f32 v61, v62;
	_ =	sdelay $0x1  }
0xb0: {  	v14 =	vand.u32 $0x7FFFFFFF, v13  }
0xb1: {  	v63 =	vld [tilespmem:s11+$0x19A0];
	(erf) = vrcp.f32 v14  }
0xb2: {  	v20 =	vld [tilespmem:s11+$0x1BA0];
	_ =	sdelay $0x1  }
0xb3: {  	v21 =	vld [tilespmem:s11+$0x1DA0]  }
0xb4: {  	v8 =	vsub.f32 v56, v57  }
0xb5: {  	v7 =	vsub.f32 v58, v7  }
0xb6: {  	v9 =	vmul.f32 v8, v63;
	v22 =	vmul.f32 v59, v20  }
0xb7: {  	v15 =	vmul.f32 v7, v63;
	v14 =	vmul.f32 v60, v20  }
0xb8: {  	v24 =	vmul.f32 v21, v6  }
0xb9: {  	v16 =	vmul.f32 v21, v5;
	v9 =	vadd.f32 v22, v9;
	v14 =	vadd.f32 v14, v15;
	v23 =	vpop (erf)  }
0xba: {  	v10 =	vmul.f32 $5.000000000e-01, v23  }
0xbb: {  	vm6 =	veq.f32 v13, $0.0e+00;
	v9 =	vadd.f32 v9, v24;
	v25 =	vadd.f32 v16, v14  }
0xbc: {  	v10 =	vsel vm6, $0x7FC00000, v10  }
0xbd: {  	v9 =	vmul.f32 v10, v9;
	v10 =	vmul.f32 v10, v25;
	_ =	sdelay $0x1  }
0xbe: {  	v8 =	vmul.f32 v9, v8;
	v7 =	vmul.f32 v10, v7  }
0xbf: {  	v11 =	vmul.f32 v9, v59;
	v12 =	vmul.f32 v10, v60  }
0xc0: {  	v6 =	vmul.f32 v9, v6;
	v5 =	vmul.f32 v10, v5;
	v7 =	vadd.f32 v7, v8  }
0xc1: {  	v26 =	vadd.f32 v12, v11  }
0xc2: {  	v5 =	vadd.f32 v5, v6;
	v7 =	vsub.f32 $0.0e+00, v7  }
0xc3: {  	v27 =	vsub.f32 $0.0e+00, v26  }
0xc4: {  	v5 =	vsub.f32 $0.0e+00, v5;
	v7 =	vnsel vm5, $0x0, v7  }
0xc5: {  	v6 =	vnsel vm5, $0x0, v27;
	[tilespmem:s9+$0xA9A0] =	vst v7  }
0xc6: {  	v5 =	vnsel vm5, $0x0, v5;
	[tilespmem:s9+$0xAA20] =	vst v6  }
0xc7: {  	[tilespmem:s9+$0xAAA0] =	vst v5  }
0xc8: {  	v5 =	vld [tilespmem:s11+$0x18B0]  }
0xc9: {  	v6 =	vld [tilespmem:s11+$0x1930]  }
0xca: {  	v7 =	vld [tilespmem:s11+$0x1AB0]  }
0xcb: {  	v28 =	vld [tilespmem:s11+$0x1B30]  }
0xcc: {  	v29 =	vld [tilespmem:s11+$0x1D30]  }
0xcd: {  	v30 =	vld [tilespmem:s11+$0x1CB0];
	_ =	sdelay $0x3  }
0xce: {  	v31 =	vsub.f32 v29, v6;
	v6 =	vsub.f32 v6, v28  }
0xcf: {  	v32 =	vsub.f32 v5, v30;
	v5 =	vsub.f32 v7, v5;
	_ =	sdelay $0x1  }
0xd0: {  	v33 =	vmul.f32 v31, v5;
	v34 =	vmul.f32 v32, v6;
	_ =	sdelay $0x1  }
0xd1: {  	v13 =	vsub.f32 v33, v34;
	_ =	sdelay $0x1  }
0xd2: {  	v14 =	vand.u32 $0x7FFFFFFF, v13  }
0xd3: {  	v35 =	vld [tilespmem:s11+$0x19B0];
	(erf) = vrcp.f32 v14  }
0xd4: {  	v36 =	vld [tilespmem:s11+$0x1BB0];
	_ =	sdelay $0x1  }
0xd5: {  	v37 =	vld [tilespmem:s11+$0x1DB0]  }
0xd6: {  	v8 =	vsub.f32 v28, v29  }
0xd7: {  	v7 =	vsub.f32 v30, v7  }
0xd8: {  	v9 =	vmul.f32 v8, v35;
	v38 =	vmul.f32 v31, v36  }
0xd9: {  	v15 =	vmul.f32 v7, v35;
	v14 =	vmul.f32 v32, v36  }
0xda: {  	v40 =	vmul.f32 v37, v6  }
0xdb: {  	v16 =	vmul.f32 v37, v5;
	v9 =	vadd.f32 v38, v9;
	v14 =	vadd.f32 v14, v15;
	v39 =	vpop (erf)  }
0xdc: {  	v10 =	vmul.f32 $5.000000000e-01, v39  }
0xdd: {  	vm7 =	veq.f32 v13, $0.0e+00;
	v9 =	vadd.f32 v9, v40;
	v41 =	vadd.f32 v16, v14  }
0xde: {  	v10 =	vsel vm7, $0x7FC00000, v10  }
0xdf: {  	v9 =	vmul.f32 v10, v9;
	v10 =	vmul.f32 v10, v41;
	_ =	sdelay $0x1  }
0xe0: {  	v8 =	vmul.f32 v9, v8;
	v7 =	vmul.f32 v10, v7  }
0xe1: {  	v11 =	vmul.f32 v9, v31;
	v12 =	vmul.f32 v10, v32  }
0xe2: {  	v6 =	vmul.f32 v9, v6;
	v5 =	vmul.f32 v10, v5;
	v7 =	vadd.f32 v7, v8  }
0xe3: {  	v42 =	vadd.f32 v12, v11  }
0xe4: {  	v5 =	vadd.f32 v5, v6;
	v7 =	vsub.f32 $0.0e+00, v7  }
0xe5: {  	v43 =	vsub.f32 $0.0e+00, v42  }
0xe6: {  	v5 =	vsub.f32 $0.0e+00, v5;
	v7 =	vnsel vm5, $0x0, v7  }
0xe7: {  	v6 =	vnsel vm5, $0x0, v43;
	[tilespmem:s9+$0xA9B0] =	vst v7  }
0xe8: {  	v5 =	vnsel vm5, $0x0, v5;
	[tilespmem:s9+$0xAA30] =	vst v6  }
0xe9: {  	[tilespmem:s9+$0xAAB0] =	vst v5  }
0xea: {  	v5 =	vld [tilespmem:s11+$0x18C0]  }
0xeb: {  	v6 =	vld [tilespmem:s11+$0x1940]  }
0xec: {  	v7 =	vld [tilespmem:s11+$0x1AC0]  }
0xed: {  	v44 =	vld [tilespmem:s11+$0x1B40]  }
0xee: {  	v45 =	vld [tilespmem:s11+$0x1D40]  }
0xef: {  	v46 =	vld [tilespmem:s11+$0x1CC0];
	_ =	sdelay $0x3  }
0xf0: {  	v47 =	vsub.f32 v45, v6;
	v6 =	vsub.f32 v6, v44  }
0xf1: {  	v48 =	vsub.f32 v5, v46;
	v5 =	vsub.f32 v7, v5;
	_ =	sdelay $0x1  }
0xf2: {  	v49 =	vmul.f32 v47, v5;
	v50 =	vmul.f32 v48, v6;
	_ =	sdelay $0x1  }
0xf3: {  	v13 =	vsub.f32 v49, v50;
	_ =	sdelay $0x1  }
0xf4: {  	v14 =	vand.u32 $0x7FFFFFFF, v13  }
0xf5: {  	v51 =	vld [tilespmem:s11+$0x19C0];
	(erf) = vrcp.f32 v14  }
0xf6: {  	v52 =	vld [tilespmem:s11+$0x1BC0];
	_ =	sdelay $0x1  }
0xf7: {  	v53 =	vld [tilespmem:s11+$0x1DC0]  }
0xf8: {  	v8 =	vsub.f32 v44, v45  }
0xf9: {  	v7 =	vsub.f32 v46, v7  }
0xfa: {  	v9 =	vmul.f32 v8, v51;
	v54 =	vmul.f32 v47, v52  }
0xfb: {  	v15 =	vmul.f32 v7, v51;
	v14 =	vmul.f32 v48, v52  }
0xfc: {  	v56 =	vmul.f32 v53, v6  }
0xfd: {  	v16 =	vmul.f32 v53, v5;
	v9 =	vadd.f32 v54, v9;
	v14 =	vadd.f32 v14, v15;
	v55 =	vpop (erf)  }
0xfe: {  	v10 =	vmul.f32 $5.000000000e-01, v55  }
0xff: {  	vm8 =	veq.f32 v13, $0.0e+00;
	v9 =	vadd.f32 v9, v56;
	v57 =	vadd.f32 v16, v14  }
0x100: {  	v10 =	vsel vm8, $0x7FC00000, v10  }
0x101: {  	v9 =	vmul.f32 v10, v9;
	v10 =	vmul.f32 v10, v57;
	_ =	sdelay $0x1  }
0x102: {  	v8 =	vmul.f32 v9, v8;
	v7 =	vmul.f32 v10, v7  }
0x103: {  	v11 =	vmul.f32 v9, v47;
	v12 =	vmul.f32 v10, v48  }
0x104: {  	v6 =	vmul.f32 v9, v6;
	v5 =	vmul.f32 v10, v5;
	v7 =	vadd.f32 v7, v8  }
0x105: {  	v58 =	vadd.f32 v12, v11  }
0x106: {  	v5 =	vadd.f32 v5, v6;
	v7 =	vsub.f32 $0.0e+00, v7  }
0x107: {  	vm9 =	vlt.u32 v4, v0;
	v59 =	vsub.f32 $0.0e+00, v58  }
0x108: {  	v5 =	vsub.f32 $0.0e+00, v5;
	v7 =	vnsel vm9, $0x0, v7  }
0x109: {  	v6 =	vnsel vm9, $0x0, v59;
	[tilespmem:s9+$0xA9C0] =	vst v7  }
0x10a: {  	v5 =	vnsel vm9, $0x0, v5;
	[tilespmem:s9+$0xAA40] =	vst v6  }
0x10b: {  	[tilespmem:s9+$0xAAC0] =	vst v5  }
0x10c: {  	v5 =	vld [tilespmem:s11+$0x18D0]  }
0x10d: {  	v6 =	vld [tilespmem:s11+$0x1950]  }
0x10e: {  	v7 =	vld [tilespmem:s11+$0x1AD0]  }
0x10f: {  	v60 =	vld [tilespmem:s11+$0x1B50]  }
0x110: {  	v61 =	vld [tilespmem:s11+$0x1D50]  }
0x111: {  	v62 =	vld [tilespmem:s11+$0x1CD0];
	_ =	sdelay $0x3  }
0x112: {  	v63 =	vsub.f32 v61, v6;
	v6 =	vsub.f32 v6, v60  }
0x113: {  	v20 =	vsub.f32 v5, v62;
	v5 =	vsub.f32 v7, v5;
	_ =	sdelay $0x1  }
0x114: {  	v21 =	vmul.f32 v63, v5;
	v22 =	vmul.f32 v20, v6;
	_ =	sdelay $0x1  }
0x115: {  	v13 =	vsub.f32 v21, v22;
	_ =	sdelay $0x1  }
0x116: {  	v14 =	vand.u32 $0x7FFFFFFF, v13  }
0x117: {  	v23 =	vld [tilespmem:s11+$0x19D0];
	(erf) = vrcp.f32 v14  }
0x118: {  	v24 =	vld [tilespmem:s11+$0x1BD0];
	_ =	sdelay $0x1  }
0x119: {  	v25 =	vld [tilespmem:s11+$0x1DD0]  }
0x11a: {  	v8 =	vsub.f32 v60, v61  }
0x11b: {  	v7 =	vsub.f32 v62, v7  }
0x11c: {  	v9 =	vmul.f32 v8, v23;
	v26 =	vmul.f32 v63, v24  }
0x11d: {  	v15 =	vmul.f32 v7, v23;
	v14 =	vmul.f32 v20, v24  }
0x11e: {  	v28 =	vmul.f32 v25, v6  }
0x11f: {  	v16 =	vmul.f32 v25, v5;
	v9 =	vadd.f32 v26, v9;
	v14 =	vadd.f32 v14, v15;
	v27 =	vpop (erf)  }
0x120: {  	v10 =	vmul.f32 $5.000000000e-01, v27  }
0x121: {  	vm10 =	veq.f32 v13, $0.0e+00;
	v9 =	vadd.f32 v9, v28;
	v29 =	vadd.f32 v16, v14  }
0x122: {  	v10 =	vsel vm10, $0x7FC00000, v10  }
0x123: {  	v9 =	vmul.f32 v10, v9;
	v10 =	vmul.f32 v10, v29;
	_ =	sdelay $0x1  }
0x124: {  	v8 =	vmul.f32 v9, v8;
	v7 =	vmul.f32 v10, v7  }
0x125: {  	v11 =	vmul.f32 v9, v63;
	v12 =	vmul.f32 v10, v20  }
0x126: {  	v6 =	vmul.f32 v9, v6;
	v5 =	vmul.f32 v10, v5;
	v7 =	vadd.f32 v7, v8  }
0x127: {  	v30 =	vadd.f32 v12, v11  }
0x128: {  	v5 =	vadd.f32 v5, v6;
	v7 =	vsub.f32 $0.0e+00, v7  }
0x129: {  	vm11 =	vlt.u32 v4, v1;
	v31 =	vsub.f32 $0.0e+00, v30  }
0x12a: {  	v5 =	vsub.f32 $0.0e+00, v5;
	v7 =	vnsel vm11, $0x0, v7  }
0x12b: {  	v6 =	vnsel vm11, $0x0, v31;
	[tilespmem:s9+$0xA9D0] =	vst v7  }
0x12c: {  	v5 =	vnsel vm11, $0x0, v5;
	[tilespmem:s9+$0xAA50] =	vst v6  }
0x12d: {  	[tilespmem:s9+$0xAAD0] =	vst v5  }
0x12e: {  	v5 =	vld [tilespmem:s11+$0x18E0]  }
0x12f: {  	v6 =	vld [tilespmem:s11+$0x1960]  }
0x130: {  	v7 =	vld [tilespmem:s11+$0x1AE0]  }
0x131: {  	v32 =	vld [tilespmem:s11+$0x1B60]  }
0x132: {  	v33 =	vld [tilespmem:s11+$0x1D60]  }
0x133: {  	v34 =	vld [tilespmem:s11+$0x1CE0];
	_ =	sdelay $0x3  }
0x134: {  	v35 =	vsub.f32 v33, v6;
	v6 =	vsub.f32 v6, v32  }
0x135: {  	v36 =	vsub.f32 v5, v34;
	v5 =	vsub.f32 v7, v5;
	_ =	sdelay $0x1  }
0x136: {  	v37 =	vmul.f32 v35, v5;
	v38 =	vmul.f32 v36, v6;
	_ =	sdelay $0x1  }
0x137: {  	v13 =	vsub.f32 v37, v38;
	_ =	sdelay $0x1  }
0x138: {  	v14 =	vand.u32 $0x7FFFFFFF, v13  }
0x139: {  	v39 =	vld [tilespmem:s11+$0x19E0];
	(erf) = vrcp.f32 v14  }
0x13a: {  	v40 =	vld [tilespmem:s11+$0x1BE0];
	_ =	sdelay $0x1  }
0x13b: {  	v41 =	vld [tilespmem:s11+$0x1DE0]  }
0x13c: {  	v8 =	vsub.f32 v32, v33  }
0x13d: {  	v7 =	vsub.f32 v34, v7  }
0x13e: {  	v9 =	vmul.f32 v8, v39;
	v42 =	vmul.f32 v35, v40  }
0x13f: {  	v15 =	vmul.f32 v7, v39;
	v14 =	vmul.f32 v36, v40  }
0x140: {  	v44 =	vmul.f32 v41, v6  }
0x141: {  	v16 =	vmul.f32 v41, v5;
	v9 =	vadd.f32 v42, v9;
	v14 =	vadd.f32 v14, v15;
	v43 =	vpop (erf)  }
0x142: {  	v10 =	vmul.f32 $5.000000000e-01, v43  }
0x143: {  	vm12 =	veq.f32 v13, $0.0e+00;
	v9 =	vadd.f32 v9, v44;
	v45 =	vadd.f32 v16, v14  }
0x144: {  	v10 =	vsel vm12, $0x7FC00000, v10  }
0x145: {  	v9 =	vmul.f32 v10, v9;
	v10 =	vmul.f32 v10, v45;
	_ =	sdelay $0x1  }
0x146: {  	v8 =	vmul.f32 v9, v8;
	v7 =	vmul.f32 v10, v7  }
0x147: {  	v11 =	vmul.f32 v9, v35;
	v12 =	vmul.f32 v10, v36  }
0x148: {  	v6 =	vmul.f32 v9, v6;
	v5 =	vmul.f32 v10, v5;
	v7 =	vadd.f32 v7, v8  }
0x149: {  	v46 =	vadd.f32 v12, v11  }
0x14a: {  	v5 =	vadd.f32 v5, v6;
	v7 =	vsub.f32 $0.0e+00, v7  }
0x14b: {  	vm13 =	vlt.u32 v4, v2;
	v47 =	vsub.f32 $0.0e+00, v46  }
0x14c: {  	v5 =	vsub.f32 $0.0e+00, v5;
	v7 =	vnsel vm13, $0x0, v7  }
0x14d: {  	v6 =	vnsel vm13, $0x0, v47;
	[tilespmem:s9+$0xA9E0] =	vst v7  }
0x14e: {  	v5 =	vnsel vm13, $0x0, v5;
	[tilespmem:s9+$0xAA60] =	vst v6  }
0x14f: {  	[tilespmem:s9+$0xAAE0] =	vst v5  }
0x150: {  	v5 =	vld [tilespmem:s11+$0x18F0]  }
0x151: {  	v6 =	vld [tilespmem:s11+$0x1970]  }
0x152: {  	v7 =	vld [tilespmem:s11+$0x1AF0]  }
0x153: {  	v48 =	vld [tilespmem:s11+$0x1B70]  }
0x154: {  	v49 =	vld [tilespmem:s11+$0x1D70]  }
0x155: {  	v50 =	vld [tilespmem:s11+$0x1CF0];
	_ =	sdelay $0x3  }
0x156: {  	v51 =	vsub.f32 v49, v6;
	v6 =	vsub.f32 v6, v48  }
0x157: {  	v52 =	vsub.f32 v5, v50;
	v5 =	vsub.f32 v7, v5;
	_ =	sdelay $0x1  }
0x158: {  	v53 =	vmul.f32 v51, v5;
	v54 =	vmul.f32 v52, v6;
	_ =	sdelay $0x1  }
0x159: {  	v13 =	vsub.f32 v53, v54;
	_ =	sdelay $0x1  }
0x15a: {  	v14 =	vand.u32 $0x7FFFFFFF, v13  }
0x15b: {  	v55 =	vld [tilespmem:s11+$0x19F0];
	(erf) = vrcp.f32 v14  }
0x15c: {  	v56 =	vld [tilespmem:s11+$0x1BF0];
	_ =	sdelay $0x1  }
0x15d: {  	v57 =	vld [tilespmem:s11+$0x1DF0]  }
0x15e: {  	v8 =	vsub.f32 v48, v49  }
0x15f: {  	v7 =	vsub.f32 v50, v7  }
0x160: {  	v9 =	vmul.f32 v8, v55;
	v58 =	vmul.f32 v51, v56  }
0x161: {  	v15 =	vmul.f32 v7, v55;
	v14 =	vmul.f32 v52, v56  }
0x162: {  	v60 =	vmul.f32 v57, v6  }
0x163: {  	v16 =	vmul.f32 v57, v5;
	v9 =	vadd.f32 v58, v9;
	v14 =	vadd.f32 v14, v15;
	v59 =	vpop (erf)  }
0x164: {  	v10 =	vmul.f32 $5.000000000e-01, v59  }
0x165: {  	vm14 =	veq.f32 v13, $0.0e+00;
	v9 =	vadd.f32 v9, v60;
	v61 =	vadd.f32 v16, v14  }
0x166: {  	v10 =	vsel vm14, $0x7FC00000, v10  }
0x167: {  	v9 =	vmul.f32 v10, v9;
	v10 =	vmul.f32 v10, v61;
	_ =	sdelay $0x1  }
0x168: {  	v8 =	vmul.f32 v9, v8;
	v7 =	vmul.f32 v10, v7  }
0x169: {  	v11 =	vmul.f32 v9, v51;
	v12 =	vmul.f32 v10, v52  }
0x16a: {  	v6 =	vmul.f32 v9, v6;
	v5 =	vmul.f32 v10, v5;
	v7 =	vadd.f32 v7, v8  }
0x16b: {  	v62 =	vadd.f32 v12, v11  }
0x16c: {  	v5 =	vadd.f32 v5, v6;
	v7 =	vsub.f32 $0.0e+00, v7  }
0x16d: {  	vm15 =	vlt.u32 v4, v3;
	v63 =	vsub.f32 $0.0e+00, v62  }
0x16e: {  	v4 =	vsub.f32 $0.0e+00, v5;
	v5 =	vnsel vm15, $0x0, v7  }
0x16f: {  	v6 =	vnsel vm15, $0x0, v63;
	[tilespmem:s9+$0xA9F0] =	vst v5  }
0x170: {  	s29 =	sadd.s32 $0x200, s29;
	v4 =	vnsel vm15, $0x0, v4;
	[tilespmem:s9+$0xAA70] =	vst v6  }
0x171: {  	s10 =	sor.u32 $0xA980, s9;
	p0 =	sne.s32 s29, $0x6200;
	s11 =	sadd.s32 $0x2480, s7;
	[tilespmem:s9+$0xAAF0] =	vst v4  }
0x172: {  	[spmem:s5] =	stream.indirect.scatter.add.f32 [tilespmem:s10], [sflag:$0x2], $0x1, s11, s25, $0xb8;
	[tilespmem:$0xDE80] =	vst v63  }
.Ltmp0:
0x173: {  	_ = 	snop;
	(pc) =	sbr.rel @p0 .LBB2_2-.Ltmp0, $4  }
0x174: {  	s0 =	sadd.s32 $0x1, s0;
	s10 =	sadd.s32 $0xAA00, s9;
	s11 =	sadd.s32 $0x4080, s7  }
0x175: {  	[spmem:s5] =	stream.indirect.scatter.add.f32 [tilespmem:s10], [sflag:$0x2], $0x1, s11, s25, $0xb8;
	[tilespmem:$0xDE80] =	vst v63  }
0x176: {  	s17 =	sadd.s32 $0x80, s17;
	s7 =	sadd.s32 $0x5C80, s7;
	s11 =	sadd.s32 $0xAA80, s9  }
0x177: {  	[spmem:s5] =	stream.indirect.scatter.add.f32 [tilespmem:s11], [sflag:$0x2], $0x1, s7, s25, $0xb8;
	[tilespmem:$0xDE80] =	vst v63  }
0x178: {  	_ =	swait.ge [sflag:s30], $0x480  }
0x179: {  	[sflag:s30] =	ssyncset.done $0x0  }
0x17a: {  	[sflag:s30] =	ssyncadd.s32 $0xFFFFFB80  }
0x17b: {  	_ =	swait.ge [sflag:s31], $0x180  }
0x17c: {  	[sflag:s31] =	ssyncset.done $0x0  }
0x17d: {  	[sflag:s31] =	ssyncadd.s32 $0xFFFFFE80  }
0x17e: {  	_ =	swait.ge [sflag:s31], $0x180  }
0x17f: {  	[sflag:s31] =	ssyncset.done $0x0  }
0x180: {  	[sflag:s31] =	ssyncadd.s32 $0xFFFFFE80  }
0x181: {  	[bflag:$0x0] =	sbarrier.arrive $0xFFFF  }
0x182: {  	[tilespmem:s3], [sflag:$0x3] =	stream.linear.gather [spmem:s14], $0x1880, $0x38;
	[tilespmem:$0xDE80] =	vst v63  }
0x183: {  	s28 =	sadd.s32 $0x1, s28;
	_ =	swait.ge [sflag:s19], $0x1880  }
0x184: {  	p0 =	sne.s32 s28, s16;
	[sflag:s19] =	ssyncset.done $0x0  }
.Ltmp1:
0x185: {  	s0 =	simm.s32 $0x100;
	[sflag:s19] =	ssyncadd.s32 $0xFFFFE780;
	(pc) =	sbr.rel @p0 .LBB2_1-.Ltmp1, $4  }
0x186: {  	[hbm4b:s15+s25] =	stream.strided.scatter [tilespmem:s3], [sflag:$0x3], $0x1880, s0, s25, $0x38;
	[tilespmem:$0xDE80] =	vst v63  }
0x187: {  	_ =	swait.ge [sflag:s19], $0x1880  }
0x188: {  	[sflag:s19] =	ssyncset.done $0x0  }
0x189: {  	[sflag:s19] =	ssyncadd.s32 $0xFFFFE780  }
0x18a: {  	_ =	sfence.sel $0x180000  }
0x18b: {  	[bflag:$0x0] =	sbarrier.arrive $0xFFFF  }
0x18c: {  	_ =	strace $0x90000047  }
0x18d: {  	s0 =	stileid.u32;
	[bflag:$0x2] =	sbarrier.arrive $0xFFFF  }
0x18e: {  	p0 =	sne.s32 s0, $0x0;
	s0 =	rddreg [dreg:$0x6]  }
0x18f: {  	s0 =	sadd.s32 @!p0 $0x100000, s0  }
0x190: {  	[sflag:s0] =	ssyncadd.tile.s32 @!p0 $0x1;
	_ =	shalt  }
.Lfunc_end2:
_tile_overlayer_lowered:
.L_overlay_start_2:
0x191: {  	(tag) =	ssettag $0x2  }
0x192: {  	s0 =	rddreg [dreg:$0x0];
	s2 =	stileid.u32  }
0x193: {  	s1 =	rddreg [dreg:$0x1];
	p0 =	sne.s32 s2, $0x0  }
0x194: {  	s3 =	rddreg [dreg:$0x2];
	[bflag:$0x3] =	sbarrier.arrive $0xFFFF;
	s2 =	simm.s32 @!p0 $0x1C03  }
0x195: {  	[timem:s3], [sflag:s2] =	dma.local @!p0 [hbm:s0], s1  }
0x196: {  	s0 =	simm.s32 @!p0 $0x3  }
0x197: {  	_ =	swait.ge @!p0 [sflag:s0], s1  }
0x198: {  	s1 =	ssub.s32 @!p0 $0x0, s1;
	[sflag:s0] =	ssyncset.done @!p0 $0x0  }
0x199: {  	[sflag:s0] =	ssyncadd.s32 @!p0 s1  }
0x19a: {  	[bflag:$0x3] =	sbarrier.arrive $0xFFFF  }
0x19b: {  	_ =	shalt  }

</sc_bundles>
